<compile_context>
chip_gen: v7x
topology: tpu7x:2x2x1
jax: 0.10.2.dev20260603
libtpu: 0.0.44.dev20260713+nightly
codegen_flags: <defaults>
</compile_context>

<pallas_src>
import functools

import jax
import jax.numpy as jnp
from jax import lax
from jax.experimental import pallas as pl
from jax.experimental.pallas import tpu as pltpu
from jax.experimental.pallas import tpu_sc as plsc

N = 10000
NPAD = 10240
F = 128
LAT = 64
DEGW = 128

NC, NS = 2, 16
NWORK = NC * NS
CHUNK = 128
E = 320000
E_TOT = E + N
CPT = 81
E_PAD = NWORK * CPT * CHUNK
ROWS_PER_TILE = NPAD // NS


def _agg_body(g_hbm, src_hbm, dst_hbm, out_hbm, idx_s, idx_d, rows, acc, sem):
    cid = lax.axis_index("c")
    sid = lax.axis_index("s")

    def _zrow(i, carry):
        for c in range(F // 16):
            rows[i, pl.ds(c * 16, 16)] = jnp.zeros((16,), jnp.float32)
        return carry

    lax.fori_loop(0, CHUNK, _zrow, 0)
    r0 = sid * ROWS_PER_TILE

    def _zacc(i, carry):
        pltpu.sync_copy(rows, acc.at[pl.ds(r0 + i * CHUNK, CHUNK)])
        return carry

    lax.fori_loop(0, ROWS_PER_TILE // CHUNK, _zacc, 0)

    tid = cid * NS + sid
    pltpu.sync_copy(src_hbm.at[tid], idx_s)
    pltpu.sync_copy(dst_hbm.at[tid], idx_d)
    plsc.subcore_barrier()

    def _step(j, carry):
        pltpu.async_copy(g_hbm.at[idx_s.at[j]], rows, sem).wait()
        pltpu.sync_copy(rows, acc.at[idx_d.at[j]], add=True)
        return carry

    lax.fori_loop(0, CPT, _step, 0)
    plsc.subcore_barrier()
    pltpu.sync_copy(acc.at[pl.ds(r0, ROWS_PER_TILE)],
                    out_hbm.at[cid, pl.ds(r0, ROWS_PER_TILE)])


_agg = functools.partial(
    pl.kernel,
    out_type=jax.ShapeDtypeStruct((NC, NPAD, F), jnp.float32),
    mesh=plsc.VectorSubcoreMesh(core_axis_name="c", subcore_axis_name="s"),
    scratch_types=[
        pltpu.VMEM((CPT, CHUNK), jnp.int32),
        pltpu.VMEM((CPT, CHUNK), jnp.int32),
        pltpu.VMEM((CHUNK, F), jnp.float32),
        pltpu.VMEM_SHARED((NPAD, F), jnp.float32),
        pltpu.SemaphoreType.DMA,
    ],
)(_agg_body)


def _deg_body(dst_hbm, out_hbm, idx_d, ones, acc):
    cid = lax.axis_index("c")
    sid = lax.axis_index("s")

    def _fill(val):
        def _f(i, carry):
            for c in range(DEGW // 16):
                ones[i, pl.ds(c * 16, 16)] = jnp.full((16,), val, jnp.float32)
            return carry
        lax.fori_loop(0, CHUNK, _f, 0)

    _fill(0.0)
    r0 = sid * ROWS_PER_TILE

    def _zacc(i, carry):
        pltpu.sync_copy(ones, acc.at[pl.ds(r0 + i * CHUNK, CHUNK)])
        return carry

    lax.fori_loop(0, ROWS_PER_TILE // CHUNK, _zacc, 0)
    _fill(1.0)

    tid = cid * NS + sid
    pltpu.sync_copy(dst_hbm.at[tid], idx_d)
    plsc.subcore_barrier()

    def _step(j, carry):
        pltpu.sync_copy(ones, acc.at[idx_d.at[j]], add=True)
        return carry

    lax.fori_loop(0, CPT, _step, 0)
    plsc.subcore_barrier()
    pltpu.sync_copy(acc.at[pl.ds(r0, ROWS_PER_TILE)],
                    out_hbm.at[cid, pl.ds(r0, ROWS_PER_TILE)])


_deg = functools.partial(
    pl.kernel,
    out_type=jax.ShapeDtypeStruct((NC, NPAD, DEGW), jnp.float32),
    mesh=plsc.VectorSubcoreMesh(core_axis_name="c", subcore_axis_name="s"),
    scratch_types=[
        pltpu.VMEM((CPT, CHUNK), jnp.int32),
        pltpu.VMEM((CHUNK, DEGW), jnp.float32),
        pltpu.VMEM_SHARED((NPAD, DEGW), jnp.float32),
    ],
)(_deg_body)


def _dinv_col(degp_blk):
    deg = degp_blk[0] + degp_blk[1]
    dinv = jnp.where(deg > 0, lax.rsqrt(deg), 0.0)
    return dinv[:, 0:1]


def _tc1_body(x_ref, w_ref, degp_ref, g1_ref):
    d0 = _dinv_col(degp_ref[...])
    h = jnp.dot(x_ref[...], w_ref[...], preferred_element_type=jnp.float32)
    g1_ref[...] = h * d0


BLK1 = 512
_tc1 = pl.pallas_call(
    _tc1_body,
    grid=(NPAD // BLK1,),
    in_specs=[
        pl.BlockSpec((BLK1, F), lambda i: (i, 0)),
        pl.BlockSpec((F, F), lambda i: (0, 0)),
        pl.BlockSpec((NC, BLK1, DEGW), lambda i: (0, i, 0)),
    ],
    out_specs=pl.BlockSpec((BLK1, F), lambda i: (i, 0)),
    out_shape=jax.ShapeDtypeStruct((NPAD, F), jnp.float32),
)


def _tc2_body(p_ref, degp_ref, b1_ref, g2_ref):
    d0 = _dinv_col(degp_ref[...])
    out1 = (p_ref[0] + p_ref[1]) * d0 + b1_ref[...]
    h = jnp.maximum(out1, 0.0)
    g2_ref[...] = h * d0


_tc2 = pl.pallas_call(
    _tc2_body,
    grid=(NPAD // BLK1,),
    in_specs=[
        pl.BlockSpec((NC, BLK1, F), lambda i: (0, i, 0)),
        pl.BlockSpec((NC, BLK1, DEGW), lambda i: (0, i, 0)),
        pl.BlockSpec((1, F), lambda i: (0, 0)),
    ],
    out_specs=pl.BlockSpec((BLK1, F), lambda i: (i, 0)),
    out_shape=jax.ShapeDtypeStruct((NPAD, F), jnp.float32),
)


def _tc3_body(q_ref, degp_ref, wmu_ref, bmu_ref, wls_ref, bls_ref,
              mu_ref, ls_ref):
    d0 = _dinv_col(degp_ref[...])
    aggh = (q_ref[0] + q_ref[1]) * d0
    mu_ref[...] = jnp.dot(aggh, wmu_ref[...],
                          preferred_element_type=jnp.float32) + bmu_ref[...]
    ls_ref[...] = jnp.dot(aggh, wls_ref[...],
                          preferred_element_type=jnp.float32) + bls_ref[...]


BLK3 = 400
_tc3 = pl.pallas_call(
    _tc3_body,
    grid=(N // BLK3,),
    in_specs=[
        pl.BlockSpec((NC, BLK3, F), lambda i: (0, i, 0)),
        pl.BlockSpec((NC, BLK3, DEGW), lambda i: (0, i, 0)),
        pl.BlockSpec((F, LAT), lambda i: (0, 0)),
        pl.BlockSpec((1, LAT), lambda i: (0, 0)),
        pl.BlockSpec((F, LAT), lambda i: (0, 0)),
        pl.BlockSpec((1, LAT), lambda i: (0, 0)),
    ],
    out_specs=[
        pl.BlockSpec((BLK3, LAT), lambda i: (i, 0)),
        pl.BlockSpec((BLK3, LAT), lambda i: (i, 0)),
    ],
    out_shape=[
        jax.ShapeDtypeStruct((N, LAT), jnp.float32),
        jax.ShapeDtypeStruct((N, LAT), jnp.float32),
    ],
)


def kernel(x, edge_index, W1, b1, W_mu, b_mu, W_logstd, b_logstd):
    ei = edge_index.astype(jnp.int32)
    loop = jnp.arange(N, dtype=jnp.int32)
    padv = jnp.full((E_PAD - E_TOT,), N, jnp.int32)
    srcm = jnp.concatenate([ei[0], loop, padv]).reshape(NWORK, CPT, CHUNK)
    dstm = jnp.concatenate([ei[1], loop, padv]).reshape(NWORK, CPT, CHUNK)
    xpad = jnp.concatenate([x, jnp.zeros((NPAD - N, F), x.dtype)])

    degp = _deg(dstm)
    g1 = _tc1(xpad, W1, degp)
    p1 = _agg(g1, srcm, dstm)
    g2 = _tc2(p1, degp, b1.reshape(1, F))
    p2 = _agg(g2, srcm, dstm)
    mu, logstd = _tc3(p2, degp, W_mu, b_mu.reshape(1, LAT),
                      W_logstd, b_logstd.reshape(1, LAT))
    return (mu, logstd)

# --- scband reference (transcript-rebuilt; emitter-appended) ---
"""Pipeline reference for scband-gcnencoder-57071525429814 (READ-ONLY COPY).

The authoritative reference and input builder live on the scoring server;
editing this copy changes nothing except your own understanding.
"""

import jax, jax.numpy as jnp
import numpy as np

N_NODES = 10000


def gcn_conv(x, W, b, src, dst, n):
    # PyG GCNConv semantics: add self-loops, symmetric normalization,
    # linear transform, sum-aggregate to dst, add bias.
    loop = jnp.arange(n, dtype=src.dtype)
    s = jnp.concatenate([src, loop])
    d = jnp.concatenate([dst, loop])
    deg = jax.ops.segment_sum(jnp.ones(d.shape[0], dtype=x.dtype), d, num_segments=n)
    dinv = jnp.where(deg > 0, deg ** -0.5, 0.0)
    norm = dinv[s] * dinv[d]
    h = x @ W
    msg = h[s] * norm[:, None]
    out = jax.ops.segment_sum(msg, d, num_segments=n)
    return out + b


def setup_inputs(seed: int = 0) -> dict:
    key = jax.random.key(seed)
    k1, k2, k3, k4, k5 = jax.random.split(key, 5)
    input_dim, hidden_dim, latent_dim = 128, 128, 64
    x = jax.random.normal(k1, (N_NODES, input_dim), dtype=jnp.float32)
    edge_index = jax.random.randint(k2, (2, 320000), 0, N_NODES, dtype=jnp.int64)
    def glorot(k, fan_in, fan_out):
        scale = (2.0 / (fan_in + fan_out)) ** 0.5
        return jax.random.normal(k, (fan_in, fan_out), dtype=jnp.float32) * scale
    return {
        "x": x,
        "edge_index": edge_index,
        "W1": glorot(k3, input_dim, hidden_dim),
        "b1": jnp.zeros((hidden_dim,), dtype=jnp.float32),
        "W_mu": glorot(k4, hidden_dim, latent_dim),
        "b_mu": jnp.zeros((latent_dim,), dtype=jnp.float32),
        "W_logstd": glorot(k5, hidden_dim, latent_dim),
        "b_logstd": jnp.zeros((latent_dim,), dtype=jnp.float32),
    }


def reference(x, edge_index, W1, b1, W_mu, b_mu, W_logstd, b_logstd):
    src = edge_index[0]
    dst = edge_index[1]
    h = jax.nn.relu(gcn_conv(x, W1, b1, src, dst, N_NODES))
    # dropout is identity in eval mode (training=False)
    mu = gcn_conv(h, W_mu, b_mu, src, dst, N_NODES)
    logstd = gcn_conv(h, W_logstd, b_logstd, src, dst, N_NODES)
    return (mu, logstd)

if __name__ == "__main__":
    import jax
    _d = setup_inputs()
    print(jax.jit(kernel)(*tuple(_d.values())))

</pallas_src>

<mosaic_0001>
#map = affine_map<(d0, d1) -> (0, 0, 0)>
module attributes {stable_mosaic.version = 14 : i64} {
  func.func @_deg_body(%arg0: i32, %arg1: i32, %arg2: memref<32x81x128xi32, #tpu.memory_space<hbm>>, %arg3: memref<2x10240x128xf32, #tpu.memory_space<hbm>>, %arg4: memref<81x128xi32, #tpu.memory_space<vmem>>, %arg5: memref<128x128xf32, #tpu.memory_space<vmem>>, %arg6: memref<10240x128xf32, #tpu.memory_space<vmem_shared>>) attributes {dimension_semantics = [#tpu.dimension_semantics<core_parallel>, #tpu.dimension_semantics<subcore_parallel>], iteration_bounds = array<i64: 2, 16>, scalar_prefetch = 0 : i64, scratch_operands = 3 : i64, tpu.core_type = #tpu.core_type<sc_vector_subcore>, window_params = [{transform_indices = #map}, {transform_indices = #map}]} {
    %scan3A = arith.constant 0 : i32
    %scan3A_0 = arith.constant 0 : i32
    %scan3A_1 = arith.constant 128 : i32
    %scan3A_2 = arith.addi %scan3A_0, %scan3A_1 : i32
    %scan3A_3 = arith.constant 1 : i32
    scf.for %scan3A_27 = %scan3A_0 to %scan3A_2 step %scan3A_3  : i32 {
      %broadcast_in_dim3A = arith.constant 0.000000e+00 : f32
      %broadcast_in_dim3A_28 = vector.broadcast %broadcast_in_dim3A : f32 to vector<16xf32>
      %swap3A = arith.index_cast %scan3A_27 : i32 to index
      %swap3A_29 = arith.constant 0 : index
      %swap3A_30 = tpu.vector_load %arg5[%swap3A, %swap3A_29] {strides = array<i32>} : memref<128x128xf32, #tpu.memory_space<vmem>>, vector<1x16xf32>,
      %swap3A_31 = vector.shape_cast %swap3A_30 : vector<1x16xf32> to vector<16xf32>
      %swap3A_32 = vector.shape_cast %broadcast_in_dim3A_28 : vector<16xf32> to vector<1x16xf32>
      tpu.vector_store %arg5[%swap3A, %swap3A_29], %swap3A_32 {strides = array<i32>} : memref<128x128xf32, #tpu.memory_space<vmem>>, vector<1x16xf32>,
      %broadcast_in_dim3A_33 = arith.constant 0.000000e+00 : f32
      %broadcast_in_dim3A_34 = vector.broadcast %broadcast_in_dim3A_33 : f32 to vector<16xf32>
      %swap3A_35 = arith.index_cast %scan3A_27 : i32 to index
      %swap3A_36 = arith.constant 16 : index
      %swap3A_37 = tpu.vector_load %arg5[%swap3A_35, %swap3A_36] {strides = array<i32>} : memref<128x128xf32, #tpu.memory_space<vmem>>, vector<1x16xf32>,
      %swap3A_38 = vector.shape_cast %swap3A_37 : vector<1x16xf32> to vector<16xf32>
      %swap3A_39 = vector.shape_cast %broadcast_in_dim3A_34 : vector<16xf32> to vector<1x16xf32>
      tpu.vector_store %arg5[%swap3A_35, %swap3A_36], %swap3A_39 {strides = array<i32>} : memref<128x128xf32, #tpu.memory_space<vmem>>, vector<1x16xf32>,
      %broadcast_in_dim3A_40 = arith.constant 0.000000e+00 : f32
      %broadcast_in_dim3A_41 = vector.broadcast %broadcast_in_dim3A_40 : f32 to vector<16xf32>
      %swap3A_42 = arith.index_cast %scan3A_27 : i32 to index
      %swap3A_43 = arith.constant 32 : index
      %swap3A_44 = tpu.vector_load %arg5[%swap3A_42, %swap3A_43] {strides = array<i32>} : memref<128x128xf32, #tpu.memory_space<vmem>>, vector<1x16xf32>,
      %swap3A_45 = vector.shape_cast %swap3A_44 : vector<1x16xf32> to vector<16xf32>
      %swap3A_46 = vector.shape_cast %broadcast_in_dim3A_41 : vector<16xf32> to vector<1x16xf32>
      tpu.vector_store %arg5[%swap3A_42, %swap3A_43], %swap3A_46 {strides = array<i32>} : memref<128x128xf32, #tpu.memory_space<vmem>>, vector<1x16xf32>,
      %broadcast_in_dim3A_47 = arith.constant 0.000000e+00 : f32
      %broadcast_in_dim3A_48 = vector.broadcast %broadcast_in_dim3A_47 : f32 to vector<16xf32>
      %swap3A_49 = arith.index_cast %scan3A_27 : i32 to index
      %swap3A_50 = arith.constant 48 : index
      %swap3A_51 = tpu.vector_load %arg5[%swap3A_49, %swap3A_50] {strides = array<i32>} : memref<128x128xf32, #tpu.memory_space<vmem>>, vector<1x16xf32>,
      %swap3A_52 = vector.shape_cast %swap3A_51 : vector<1x16xf32> to vector<16xf32>
      %swap3A_53 = vector.shape_cast %broadcast_in_dim3A_48 : vector<16xf32> to vector<1x16xf32>
      tpu.vector_store %arg5[%swap3A_49, %swap3A_50], %swap3A_53 {strides = array<i32>} : memref<128x128xf32, #tpu.memory_space<vmem>>, vector<1x16xf32>,
      %broadcast_in_dim3A_54 = arith.constant 0.000000e+00 : f32
      %broadcast_in_dim3A_55 = vector.broadcast %broadcast_in_dim3A_54 : f32 to vector<16xf32>
      %swap3A_56 = arith.index_cast %scan3A_27 : i32 to index
      %swap3A_57 = arith.constant 64 : index
      %swap3A_58 = tpu.vector_load %arg5[%swap3A_56, %swap3A_57] {strides = array<i32>} : memref<128x128xf32, #tpu.memory_space<vmem>>, vector<1x16xf32>,
      %swap3A_59 = vector.shape_cast %swap3A_58 : vector<1x16xf32> to vector<16xf32>
      %swap3A_60 = vector.shape_cast %broadcast_in_dim3A_55 : vector<16xf32> to vector<1x16xf32>
      tpu.vector_store %arg5[%swap3A_56, %swap3A_57], %swap3A_60 {strides = array<i32>} : memref<128x128xf32, #tpu.memory_space<vmem>>, vector<1x16xf32>,
      %broadcast_in_dim3A_61 = arith.constant 0.000000e+00 : f32
      %broadcast_in_dim3A_62 = vector.broadcast %broadcast_in_dim3A_61 : f32 to vector<16xf32>
      %swap3A_63 = arith.index_cast %scan3A_27 : i32 to index
      %swap3A_64 = arith.constant 80 : index
      %swap3A_65 = tpu.vector_load %arg5[%swap3A_63, %swap3A_64] {strides = array<i32>} : memref<128x128xf32, #tpu.memory_space<vmem>>, vector<1x16xf32>,
      %swap3A_66 = vector.shape_cast %swap3A_65 : vector<1x16xf32> to vector<16xf32>
      %swap3A_67 = vector.shape_cast %broadcast_in_dim3A_62 : vector<16xf32> to vector<1x16xf32>
      tpu.vector_store %arg5[%swap3A_63, %swap3A_64], %swap3A_67 {strides = array<i32>} : memref<128x128xf32, #tpu.memory_space<vmem>>, vector<1x16xf32>,
      %broadcast_in_dim3A_68 = arith.constant 0.000000e+00 : f32
      %broadcast_in_dim3A_69 = vector.broadcast %broadcast_in_dim3A_68 : f32 to vector<16xf32>
      %swap3A_70 = arith.index_cast %scan3A_27 : i32 to index
      %swap3A_71 = arith.constant 96 : index
      %swap3A_72 = tpu.vector_load %arg5[%swap3A_70, %swap3A_71] {strides = array<i32>} : memref<128x128xf32, #tpu.memory_space<vmem>>, vector<1x16xf32>,
      %swap3A_73 = vector.shape_cast %swap3A_72 : vector<1x16xf32> to vector<16xf32>
      %swap3A_74 = vector.shape_cast %broadcast_in_dim3A_69 : vector<16xf32> to vector<1x16xf32>
      tpu.vector_store %arg5[%swap3A_70, %swap3A_71], %swap3A_74 {strides = array<i32>} : memref<128x128xf32, #tpu.memory_space<vmem>>, vector<1x16xf32>,
      %broadcast_in_dim3A_75 = arith.constant 0.000000e+00 : f32
      %broadcast_in_dim3A_76 = vector.broadcast %broadcast_in_dim3A_75 : f32 to vector<16xf32>
      %swap3A_77 = arith.index_cast %scan3A_27 : i32 to index
      %swap3A_78 = arith.constant 112 : index
      %swap3A_79 = tpu.vector_load %arg5[%swap3A_77, %swap3A_78] {strides = array<i32>} : memref<128x128xf32, #tpu.memory_space<vmem>>, vector<1x16xf32>,
      %swap3A_80 = vector.shape_cast %swap3A_79 : vector<1x16xf32> to vector<16xf32>
      %swap3A_81 = vector.shape_cast %broadcast_in_dim3A_76 : vector<16xf32> to vector<1x16xf32>
      tpu.vector_store %arg5[%swap3A_77, %swap3A_78], %swap3A_81 {strides = array<i32>} : memref<128x128xf32, #tpu.memory_space<vmem>>, vector<1x16xf32>,
    }
    %scan3A_4 = arith.constant 128 : i32
    %mul3A = arith.constant 640 : i32
    %mul3A_5 = arith.muli %arg1, %mul3A : i32
    %scan3A_6 = arith.constant 0 : i32
    %scan3A_7 = arith.constant 0 : i32
    %scan3A_8 = arith.constant 5 : i32
    %scan3A_9 = arith.addi %scan3A_7, %scan3A_8 : i32
    %scan3A_10 = arith.constant 1 : i32
    scf.for %scan3A_27 = %scan3A_7 to %scan3A_9 step %scan3A_10  : i32 {
      %mul3A_28 = arith.constant 128 : i32
      %mul3A_29 = arith.muli %scan3A_27, %mul3A_28 : i32
      %add3A_30 = arith.addi %mul3A_5, %mul3A_29 : i32
      "tpu.region"() ({
        %run_scoped3A = tpu.sem_alloc : memref<!tpu.dma_semaphore, #tpu.memory_space<semaphore_mem>>
        %dma_start3A = arith.constant 0 : i32
        %dma_start3A_31 = tpu.memref_slice %arg6[%add3A_30, %dma_start3A] : memref<10240x128xf32, #tpu.memory_space<vmem_shared>> -> memref<128x128xf32, #tpu.memory_space<vmem_shared>>
        %dma_start3A_32 = arith.constant 0 : i32
        %dma_start3A_33 = tpu.memref_slice %arg6[%add3A_30, %dma_start3A_32] : memref<10240x128xf32, #tpu.memory_space<vmem_shared>> -> memref<128x128xf32, #tpu.memory_space<vmem_shared>>
        tpu.enqueue_dma source(%arg5 : memref<128x128xf32, #tpu.memory_space<vmem>>) target(%dma_start3A_33 : memref<128x128xf32, #tpu.memory_space<vmem_shared>>) target_semaphore(%run_scoped3A : memref<!tpu.dma_semaphore, #tpu.memory_space<semaphore_mem>>)
        %dma_wait3A = arith.constant 0 : i32
        %dma_wait3A_34 = tpu.memref_slice %arg6[%add3A_30, %dma_wait3A] : memref<10240x128xf32, #tpu.memory_space<vmem_shared>> -> memref<128x128xf32, #tpu.memory_space<vmem_shared>>
        %dma_wait3A_35 = arith.constant 0 : i32
        %dma_wait3A_36 = tpu.memref_slice %arg6[%add3A_30, %dma_wait3A_35] : memref<10240x128xf32, #tpu.memory_space<vmem_shared>> -> memref<128x128xf32, #tpu.memory_space<vmem_shared>>
        tpu.wait_dma2 semaphore(%run_scoped3A : memref<!tpu.dma_semaphore, #tpu.memory_space<semaphore_mem>>) src(%arg5 : memref<128x128xf32, #tpu.memory_space<vmem>>) dst(%dma_wait3A_36 : memref<128x128xf32, #tpu.memory_space<vmem_shared>>)
        tpu.yield
      }) : () -> ()
    }
    %scan3A_11 = arith.constant 5 : i32
    %scan3A_12 = arith.constant 0 : i32
    %scan3A_13 = arith.constant 0 : i32
    %scan3A_14 = arith.constant 128 : i32
    %scan3A_15 = arith.addi %scan3A_13, %scan3A_14 : i32
    %scan3A_16 = arith.constant 1 : i32
    scf.for %scan3A_27 = %scan3A_13 to %scan3A_15 step %scan3A_16  : i32 {
      %broadcast_in_dim3A = arith.constant 1.000000e+00 : f32
      %broadcast_in_dim3A_28 = vector.broadcast %broadcast_in_dim3A : f32 to vector<16xf32>
      %swap3A = arith.index_cast %scan3A_27 : i32 to index
      %swap3A_29 = arith.constant 0 : index
      %swap3A_30 = tpu.vector_load %arg5[%swap3A, %swap3A_29] {strides = array<i32>} : memref<128x128xf32, #tpu.memory_space<vmem>>, vector<1x16xf32>,
      %swap3A_31 = vector.shape_cast %swap3A_30 : vector<1x16xf32> to vector<16xf32>
      %swap3A_32 = vector.shape_cast %broadcast_in_dim3A_28 : vector<16xf32> to vector<1x16xf32>
      tpu.vector_store %arg5[%swap3A, %swap3A_29], %swap3A_32 {strides = array<i32>} : memref<128x128xf32, #tpu.memory_space<vmem>>, vector<1x16xf32>,
      %broadcast_in_dim3A_33 = arith.constant 1.000000e+00 : f32
      %broadcast_in_dim3A_34 = vector.broadcast %broadcast_in_dim3A_33 : f32 to vector<16xf32>
      %swap3A_35 = arith.index_cast %scan3A_27 : i32 to index
      %swap3A_36 = arith.constant 16 : index
      %swap3A_37 = tpu.vector_load %arg5[%swap3A_35, %swap3A_36] {strides = array<i32>} : memref<128x128xf32, #tpu.memory_space<vmem>>, vector<1x16xf32>,
      %swap3A_38 = vector.shape_cast %swap3A_37 : vector<1x16xf32> to vector<16xf32>
      %swap3A_39 = vector.shape_cast %broadcast_in_dim3A_34 : vector<16xf32> to vector<1x16xf32>
      tpu.vector_store %arg5[%swap3A_35, %swap3A_36], %swap3A_39 {strides = array<i32>} : memref<128x128xf32, #tpu.memory_space<vmem>>, vector<1x16xf32>,
      %broadcast_in_dim3A_40 = arith.constant 1.000000e+00 : f32
      %broadcast_in_dim3A_41 = vector.broadcast %broadcast_in_dim3A_40 : f32 to vector<16xf32>
      %swap3A_42 = arith.index_cast %scan3A_27 : i32 to index
      %swap3A_43 = arith.constant 32 : index
      %swap3A_44 = tpu.vector_load %arg5[%swap3A_42, %swap3A_43] {strides = array<i32>} : memref<128x128xf32, #tpu.memory_space<vmem>>, vector<1x16xf32>,
      %swap3A_45 = vector.shape_cast %swap3A_44 : vector<1x16xf32> to vector<16xf32>
      %swap3A_46 = vector.shape_cast %broadcast_in_dim3A_41 : vector<16xf32> to vector<1x16xf32>
      tpu.vector_store %arg5[%swap3A_42, %swap3A_43], %swap3A_46 {strides = array<i32>} : memref<128x128xf32, #tpu.memory_space<vmem>>, vector<1x16xf32>,
      %broadcast_in_dim3A_47 = arith.constant 1.000000e+00 : f32
      %broadcast_in_dim3A_48 = vector.broadcast %broadcast_in_dim3A_47 : f32 to vector<16xf32>
      %swap3A_49 = arith.index_cast %scan3A_27 : i32 to index
      %swap3A_50 = arith.constant 48 : index
      %swap3A_51 = tpu.vector_load %arg5[%swap3A_49, %swap3A_50] {strides = array<i32>} : memref<128x128xf32, #tpu.memory_space<vmem>>, vector<1x16xf32>,
      %swap3A_52 = vector.shape_cast %swap3A_51 : vector<1x16xf32> to vector<16xf32>
      %swap3A_53 = vector.shape_cast %broadcast_in_dim3A_48 : vector<16xf32> to vector<1x16xf32>
      tpu.vector_store %arg5[%swap3A_49, %swap3A_50], %swap3A_53 {strides = array<i32>} : memref<128x128xf32, #tpu.memory_space<vmem>>, vector<1x16xf32>,
      %broadcast_in_dim3A_54 = arith.constant 1.000000e+00 : f32
      %broadcast_in_dim3A_55 = vector.broadcast %broadcast_in_dim3A_54 : f32 to vector<16xf32>
      %swap3A_56 = arith.index_cast %scan3A_27 : i32 to index
      %swap3A_57 = arith.constant 64 : index
      %swap3A_58 = tpu.vector_load %arg5[%swap3A_56, %swap3A_57] {strides = array<i32>} : memref<128x128xf32, #tpu.memory_space<vmem>>, vector<1x16xf32>,
      %swap3A_59 = vector.shape_cast %swap3A_58 : vector<1x16xf32> to vector<16xf32>
      %swap3A_60 = vector.shape_cast %broadcast_in_dim3A_55 : vector<16xf32> to vector<1x16xf32>
      tpu.vector_store %arg5[%swap3A_56, %swap3A_57], %swap3A_60 {strides = array<i32>} : memref<128x128xf32, #tpu.memory_space<vmem>>, vector<1x16xf32>,
      %broadcast_in_dim3A_61 = arith.constant 1.000000e+00 : f32
      %broadcast_in_dim3A_62 = vector.broadcast %broadcast_in_dim3A_61 : f32 to vector<16xf32>
      %swap3A_63 = arith.index_cast %scan3A_27 : i32 to index
      %swap3A_64 = arith.constant 80 : index
      %swap3A_65 = tpu.vector_load %arg5[%swap3A_63, %swap3A_64] {strides = array<i32>} : memref<128x128xf32, #tpu.memory_space<vmem>>, vector<1x16xf32>,
      %swap3A_66 = vector.shape_cast %swap3A_65 : vector<1x16xf32> to vector<16xf32>
      %swap3A_67 = vector.shape_cast %broadcast_in_dim3A_62 : vector<16xf32> to vector<1x16xf32>
      tpu.vector_store %arg5[%swap3A_63, %swap3A_64], %swap3A_67 {strides = array<i32>} : memref<128x128xf32, #tpu.memory_space<vmem>>, vector<1x16xf32>,
      %broadcast_in_dim3A_68 = arith.constant 1.000000e+00 : f32
      %broadcast_in_dim3A_69 = vector.broadcast %broadcast_in_dim3A_68 : f32 to vector<16xf32>
      %swap3A_70 = arith.index_cast %scan3A_27 : i32 to index
      %swap3A_71 = arith.constant 96 : index
      %swap3A_72 = tpu.vector_load %arg5[%swap3A_70, %swap3A_71] {strides = array<i32>} : memref<128x128xf32, #tpu.memory_space<vmem>>, vector<1x16xf32>,
      %swap3A_73 = vector.shape_cast %swap3A_72 : vector<1x16xf32> to vector<16xf32>
      %swap3A_74 = vector.shape_cast %broadcast_in_dim3A_69 : vector<16xf32> to vector<1x16xf32>
      tpu.vector_store %arg5[%swap3A_70, %swap3A_71], %swap3A_74 {strides = array<i32>} : memref<128x128xf32, #tpu.memory_space<vmem>>, vector<1x16xf32>,
      %broadcast_in_dim3A_75 = arith.constant 1.000000e+00 : f32
      %broadcast_in_dim3A_76 = vector.broadcast %broadcast_in_dim3A_75 : f32 to vector<16xf32>
      %swap3A_77 = arith.index_cast %scan3A_27 : i32 to index
      %swap3A_78 = arith.constant 112 : index
      %swap3A_79 = tpu.vector_load %arg5[%swap3A_77, %swap3A_78] {strides = array<i32>} : memref<128x128xf32, #tpu.memory_space<vmem>>, vector<1x16xf32>,
      %swap3A_80 = vector.shape_cast %swap3A_79 : vector<1x16xf32> to vector<16xf32>
      %swap3A_81 = vector.shape_cast %broadcast_in_dim3A_76 : vector<16xf32> to vector<1x16xf32>
      tpu.vector_store %arg5[%swap3A_77, %swap3A_78], %swap3A_81 {strides = array<i32>} : memref<128x128xf32, #tpu.memory_space<vmem>>, vector<1x16xf32>,
    }
    %scan3A_17 = arith.constant 128 : i32
    %mul3A_18 = arith.constant 16 : i32
    %mul3A_19 = arith.muli %arg0, %mul3A_18 : i32
    %add3A = arith.addi %mul3A_19, %arg1 : i32
    "tpu.region"() ({
      %run_scoped3A = tpu.sem_alloc : memref<!tpu.dma_semaphore, #tpu.memory_space<semaphore_mem>>
      %dma_start3A = arith.constant 0 : i32
      %dma_start3A_27 = arith.constant 0 : i32
      %dma_start3A_28 = tpu.memref_slice %arg2[%add3A, %dma_start3A, %dma_start3A_27] : memref<32x81x128xi32, #tpu.memory_space<hbm>> -> memref<1x81x128xi32, #tpu.memory_space<hbm>>
      %dma_start3A_29 = tpu.memref_squeeze %dma_start3A_28 : memref<1x81x128xi32, #tpu.memory_space<hbm>> -> memref<81x128xi32, #tpu.memory_space<hbm>>
      %dma_start3A_30 = arith.constant 0 : i32
      %dma_start3A_31 = arith.constant 0 : i32
      %dma_start3A_32 = tpu.memref_slice %arg2[%add3A, %dma_start3A_30, %dma_start3A_31] : memref<32x81x128xi32, #tpu.memory_space<hbm>> -> memref<1x81x128xi32, #tpu.memory_space<hbm>>
      %dma_start3A_33 = tpu.memref_squeeze %dma_start3A_32 : memref<1x81x128xi32, #tpu.memory_space<hbm>> -> memref<81x128xi32, #tpu.memory_space<hbm>>
      tpu.enqueue_dma source(%dma_start3A_33 : memref<81x128xi32, #tpu.memory_space<hbm>>) target(%arg4 : memref<81x128xi32, #tpu.memory_space<vmem>>) target_semaphore(%run_scoped3A : memref<!tpu.dma_semaphore, #tpu.memory_space<semaphore_mem>>)
      %dma_wait3A = arith.constant 0 : i32
      %dma_wait3A_34 = arith.constant 0 : i32
      %dma_wait3A_35 = tpu.memref_slice %arg2[%add3A, %dma_wait3A, %dma_wait3A_34] : memref<32x81x128xi32, #tpu.memory_space<hbm>> -> memref<1x81x128xi32, #tpu.memory_space<hbm>>
      %dma_wait3A_36 = tpu.memref_squeeze %dma_wait3A_35 : memref<1x81x128xi32, #tpu.memory_space<hbm>> -> memref<81x128xi32, #tpu.memory_space<hbm>>
      %dma_wait3A_37 = arith.constant 0 : i32
      %dma_wait3A_38 = arith.constant 0 : i32
      %dma_wait3A_39 = tpu.memref_slice %arg2[%add3A, %dma_wait3A_37, %dma_wait3A_38] : memref<32x81x128xi32, #tpu.memory_space<hbm>> -> memref<1x81x128xi32, #tpu.memory_space<hbm>>
      %dma_wait3A_40 = tpu.memref_squeeze %dma_wait3A_39 : memref<1x81x128xi32, #tpu.memory_space<hbm>> -> memref<81x128xi32, #tpu.memory_space<hbm>>
      tpu.wait_dma2 semaphore(%run_scoped3A : memref<!tpu.dma_semaphore, #tpu.memory_space<semaphore_mem>>) src(%dma_wait3A_40 : memref<81x128xi32, #tpu.memory_space<hbm>>) dst(%arg4 : memref<81x128xi32, #tpu.memory_space<vmem>>)
      tpu.yield
    }) : () -> ()
    %barrier3A = arith.constant 0 : index
    tpu.barrier barrier_id(%barrier3A)
    %scan3A_20 = arith.constant 0 : i32
    %scan3A_21 = arith.constant 0 : i32
    %scan3A_22 = arith.constant 81 : i32
    %scan3A_23 = arith.addi %scan3A_21, %scan3A_22 : i32
    %scan3A_24 = arith.constant 1 : i32
    scf.for %scan3A_27 = %scan3A_21 to %scan3A_23 step %scan3A_24  : i32 {
      "tpu.region"() ({
        %run_scoped3A = tpu.sem_alloc : memref<!tpu.dma_semaphore, #tpu.memory_space<semaphore_mem>>
        %dma_start3A = arith.constant 0 : i32
        %dma_start3A_28 = tpu.memref_slice %arg4[%scan3A_27, %dma_start3A] : memref<81x128xi32, #tpu.memory_space<vmem>> -> memref<1x128xi32, #tpu.memory_space<vmem>>
        %dma_start3A_29 = tpu.memref_squeeze %dma_start3A_28 : memref<1x128xi32, #tpu.memory_space<vmem>> -> memref<128xi32, #tpu.memory_space<vmem>>
        %dma_start3A_30 = arith.constant 0 : i32
        %dma_start3A_31 = arith.constant 0 : i32
        %dma_start3A_32 = tpu.memref_slice %arg6[%dma_start3A_30, %dma_start3A_31] : memref<10240x128xf32, #tpu.memory_space<vmem_shared>> -> memref<10240x128xf32, #tpu.memory_space<vmem_shared>>
        tpu.enqueue_indirect_dma source(%arg5 : memref<128x128xf32, #tpu.memory_space<vmem>>) target(%dma_start3A_32 : memref<10240x128xf32, #tpu.memory_space<vmem_shared>>) offsets(%dma_start3A_29 : memref<128xi32, #tpu.memory_space<vmem>>) semaphore(%run_scoped3A : memref<!tpu.dma_semaphore, #tpu.memory_space<semaphore_mem>>) {add = true}
        %dma_wait3A = arith.constant 0 : i32
        %dma_wait3A_33 = tpu.memref_slice %arg4[%scan3A_27, %dma_wait3A] : memref<81x128xi32, #tpu.memory_space<vmem>> -> memref<1x128xi32, #tpu.memory_space<vmem>>
        %dma_wait3A_34 = tpu.memref_squeeze %dma_wait3A_33 : memref<1x128xi32, #tpu.memory_space<vmem>> -> memref<128xi32, #tpu.memory_space<vmem>>
        %dma_wait3A_35 = arith.constant 0 : i32
        %dma_wait3A_36 = arith.constant 0 : i32
        %dma_wait3A_37 = tpu.memref_slice %arg6[%dma_wait3A_35, %dma_wait3A_36] : memref<10240x128xf32, #tpu.memory_space<vmem_shared>> -> memref<10240x128xf32, #tpu.memory_space<vmem_shared>>
        tpu.wait_indirect_dma semaphore(%run_scoped3A : memref<!tpu.dma_semaphore, #tpu.memory_space<semaphore_mem>>) src(%arg5 : memref<128x128xf32, #tpu.memory_space<vmem>>) dst(%dma_wait3A_37 : memref<10240x128xf32, #tpu.memory_space<vmem_shared>>)
        tpu.yield
      }) : () -> ()
    }
    %scan3A_25 = arith.constant 81 : i32
    %barrier3A_26 = arith.constant 0 : index
    tpu.barrier barrier_id(%barrier3A_26)
    "tpu.region"() ({
      %run_scoped3A = tpu.sem_alloc : memref<!tpu.dma_semaphore, #tpu.memory_space<semaphore_mem>>
      %dma_start3A = arith.constant 0 : i32
      %dma_start3A_27 = tpu.memref_slice %arg3[%arg0, %mul3A_5, %dma_start3A] : memref<2x10240x128xf32, #tpu.memory_space<hbm>> -> memref<1x640x128xf32, #tpu.memory_space<hbm>>
      %dma_start3A_28 = tpu.memref_squeeze %dma_start3A_27 : memref<1x640x128xf32, #tpu.memory_space<hbm>> -> memref<640x128xf32, #tpu.memory_space<hbm>>
      %dma_start3A_29 = arith.constant 0 : i32
      %dma_start3A_30 = tpu.memref_slice %arg6[%mul3A_5, %dma_start3A_29] : memref<10240x128xf32, #tpu.memory_space<vmem_shared>> -> memref<640x128xf32, #tpu.memory_space<vmem_shared>>
      tpu.enqueue_dma source(%dma_start3A_30 : memref<640x128xf32, #tpu.memory_space<vmem_shared>>) target(%dma_start3A_28 : memref<640x128xf32, #tpu.memory_space<hbm>>) target_semaphore(%run_scoped3A : memref<!tpu.dma_semaphore, #tpu.memory_space<semaphore_mem>>)
      %dma_wait3A = arith.constant 0 : i32
      %dma_wait3A_31 = tpu.memref_slice %arg3[%arg0, %mul3A_5, %dma_wait3A] : memref<2x10240x128xf32, #tpu.memory_space<hbm>> -> memref<1x640x128xf32, #tpu.memory_space<hbm>>
      %dma_wait3A_32 = tpu.memref_squeeze %dma_wait3A_31 : memref<1x640x128xf32, #tpu.memory_space<hbm>> -> memref<640x128xf32, #tpu.memory_space<hbm>>
      %dma_wait3A_33 = arith.constant 0 : i32
      %dma_wait3A_34 = tpu.memref_slice %arg6[%mul3A_5, %dma_wait3A_33] : memref<10240x128xf32, #tpu.memory_space<vmem_shared>> -> memref<640x128xf32, #tpu.memory_space<vmem_shared>>
      tpu.wait_dma2 semaphore(%run_scoped3A : memref<!tpu.dma_semaphore, #tpu.memory_space<semaphore_mem>>) src(%dma_wait3A_34 : memref<640x128xf32, #tpu.memory_space<vmem_shared>>) dst(%dma_wait3A_32 : memref<640x128xf32, #tpu.memory_space<hbm>>)
      tpu.yield
    }) : () -> ()
    return
  }
}

#map = affine_map<(d0, d1) -> (0, 0)>
#map1 = affine_map<(d0, d1) -> (0, 0, 0)>
module attributes {stable_mosaic.version = 14 : i64} {
  func.func @_agg_body(%arg0: i32, %arg1: i32, %arg2: memref<10240x128xf32, #tpu.memory_space<hbm>>, %arg3: memref<32x81x128xi32, #tpu.memory_space<hbm>>, %arg4: memref<32x81x128xi32, #tpu.memory_space<hbm>>, %arg5: memref<2x10240x128xf32, #tpu.memory_space<hbm>>, %arg6: memref<81x128xi32, #tpu.memory_space<vmem>>, %arg7: memref<81x128xi32, #tpu.memory_space<vmem>>, %arg8: memref<128x128xf32, #tpu.memory_space<vmem>>, %arg9: memref<10240x128xf32, #tpu.memory_space<vmem_shared>>, %arg10: memref<!tpu.dma_semaphore, #tpu.memory_space<semaphore_mem>>) attributes {dimension_semantics = [#tpu.dimension_semantics<core_parallel>, #tpu.dimension_semantics<subcore_parallel>], iteration_bounds = array<i64: 2, 16>, scalar_prefetch = 0 : i64, scratch_operands = 5 : i64, tpu.core_type = #tpu.core_type<sc_vector_subcore>, window_params = [{transform_indices = #map}, {transform_indices = #map1}, {transform_indices = #map1}, {transform_indices = #map1}]} {
    %scan3A = arith.constant 0 : i32
    %scan3A_0 = arith.constant 0 : i32
    %scan3A_1 = arith.constant 128 : i32
    %scan3A_2 = arith.addi %scan3A_0, %scan3A_1 : i32
    %scan3A_3 = arith.constant 1 : i32
    scf.for %scan3A_21 = %scan3A_0 to %scan3A_2 step %scan3A_3  : i32 {
      %broadcast_in_dim3A = arith.constant 0.000000e+00 : f32
      %broadcast_in_dim3A_22 = vector.broadcast %broadcast_in_dim3A : f32 to vector<16xf32>
      %swap3A = arith.index_cast %scan3A_21 : i32 to index
      %swap3A_23 = arith.constant 0 : index
      %swap3A_24 = tpu.vector_load %arg8[%swap3A, %swap3A_23] {strides = array<i32>} : memref<128x128xf32, #tpu.memory_space<vmem>>, vector<1x16xf32>,
      %swap3A_25 = vector.shape_cast %swap3A_24 : vector<1x16xf32> to vector<16xf32>
      %swap3A_26 = vector.shape_cast %broadcast_in_dim3A_22 : vector<16xf32> to vector<1x16xf32>
      tpu.vector_store %arg8[%swap3A, %swap3A_23], %swap3A_26 {strides = array<i32>} : memref<128x128xf32, #tpu.memory_space<vmem>>, vector<1x16xf32>,
      %broadcast_in_dim3A_27 = arith.constant 0.000000e+00 : f32
      %broadcast_in_dim3A_28 = vector.broadcast %broadcast_in_dim3A_27 : f32 to vector<16xf32>
      %swap3A_29 = arith.index_cast %scan3A_21 : i32 to index
      %swap3A_30 = arith.constant 16 : index
      %swap3A_31 = tpu.vector_load %arg8[%swap3A_29, %swap3A_30] {strides = array<i32>} : memref<128x128xf32, #tpu.memory_space<vmem>>, vector<1x16xf32>,
      %swap3A_32 = vector.shape_cast %swap3A_31 : vector<1x16xf32> to vector<16xf32>
      %swap3A_33 = vector.shape_cast %broadcast_in_dim3A_28 : vector<16xf32> to vector<1x16xf32>
      tpu.vector_store %arg8[%swap3A_29, %swap3A_30], %swap3A_33 {strides = array<i32>} : memref<128x128xf32, #tpu.memory_space<vmem>>, vector<1x16xf32>,
      %broadcast_in_dim3A_34 = arith.constant 0.000000e+00 : f32
      %broadcast_in_dim3A_35 = vector.broadcast %broadcast_in_dim3A_34 : f32 to vector<16xf32>
      %swap3A_36 = arith.index_cast %scan3A_21 : i32 to index
      %swap3A_37 = arith.constant 32 : index
      %swap3A_38 = tpu.vector_load %arg8[%swap3A_36, %swap3A_37] {strides = array<i32>} : memref<128x128xf32, #tpu.memory_space<vmem>>, vector<1x16xf32>,
      %swap3A_39 = vector.shape_cast %swap3A_38 : vector<1x16xf32> to vector<16xf32>
      %swap3A_40 = vector.shape_cast %broadcast_in_dim3A_35 : vector<16xf32> to vector<1x16xf32>
      tpu.vector_store %arg8[%swap3A_36, %swap3A_37], %swap3A_40 {strides = array<i32>} : memref<128x128xf32, #tpu.memory_space<vmem>>, vector<1x16xf32>,
      %broadcast_in_dim3A_41 = arith.constant 0.000000e+00 : f32
      %broadcast_in_dim3A_42 = vector.broadcast %broadcast_in_dim3A_41 : f32 to vector<16xf32>
      %swap3A_43 = arith.index_cast %scan3A_21 : i32 to index
      %swap3A_44 = arith.constant 48 : index
      %swap3A_45 = tpu.vector_load %arg8[%swap3A_43, %swap3A_44] {strides = array<i32>} : memref<128x128xf32, #tpu.memory_space<vmem>>, vector<1x16xf32>,
      %swap3A_46 = vector.shape_cast %swap3A_45 : vector<1x16xf32> to vector<16xf32>
      %swap3A_47 = vector.shape_cast %broadcast_in_dim3A_42 : vector<16xf32> to vector<1x16xf32>
      tpu.vector_store %arg8[%swap3A_43, %swap3A_44], %swap3A_47 {strides = array<i32>} : memref<128x128xf32, #tpu.memory_space<vmem>>, vector<1x16xf32>,
      %broadcast_in_dim3A_48 = arith.constant 0.000000e+00 : f32
      %broadcast_in_dim3A_49 = vector.broadcast %broadcast_in_dim3A_48 : f32 to vector<16xf32>
      %swap3A_50 = arith.index_cast %scan3A_21 : i32 to index
      %swap3A_51 = arith.constant 64 : index
      %swap3A_52 = tpu.vector_load %arg8[%swap3A_50, %swap3A_51] {strides = array<i32>} : memref<128x128xf32, #tpu.memory_space<vmem>>, vector<1x16xf32>,
      %swap3A_53 = vector.shape_cast %swap3A_52 : vector<1x16xf32> to vector<16xf32>
      %swap3A_54 = vector.shape_cast %broadcast_in_dim3A_49 : vector<16xf32> to vector<1x16xf32>
      tpu.vector_store %arg8[%swap3A_50, %swap3A_51], %swap3A_54 {strides = array<i32>} : memref<128x128xf32, #tpu.memory_space<vmem>>, vector<1x16xf32>,
      %broadcast_in_dim3A_55 = arith.constant 0.000000e+00 : f32
      %broadcast_in_dim3A_56 = vector.broadcast %broadcast_in_dim3A_55 : f32 to vector<16xf32>
      %swap3A_57 = arith.index_cast %scan3A_21 : i32 to index
      %swap3A_58 = arith.constant 80 : index
      %swap3A_59 = tpu.vector_load %arg8[%swap3A_57, %swap3A_58] {strides = array<i32>} : memref<128x128xf32, #tpu.memory_space<vmem>>, vector<1x16xf32>,
      %swap3A_60 = vector.shape_cast %swap3A_59 : vector<1x16xf32> to vector<16xf32>
      %swap3A_61 = vector.shape_cast %broadcast_in_dim3A_56 : vector<16xf32> to vector<1x16xf32>
      tpu.vector_store %arg8[%swap3A_57, %swap3A_58], %swap3A_61 {strides = array<i32>} : memref<128x128xf32, #tpu.memory_space<vmem>>, vector<1x16xf32>,
      %broadcast_in_dim3A_62 = arith.constant 0.000000e+00 : f32
      %broadcast_in_dim3A_63 = vector.broadcast %broadcast_in_dim3A_62 : f32 to vector<16xf32>
      %swap3A_64 = arith.index_cast %scan3A_21 : i32 to index
      %swap3A_65 = arith.constant 96 : index
      %swap3A_66 = tpu.vector_load %arg8[%swap3A_64, %swap3A_65] {strides = array<i32>} : memref<128x128xf32, #tpu.memory_space<vmem>>, vector<1x16xf32>,
      %swap3A_67 = vector.shape_cast %swap3A_66 : vector<1x16xf32> to vector<16xf32>
      %swap3A_68 = vector.shape_cast %broadcast_in_dim3A_63 : vector<16xf32> to vector<1x16xf32>
      tpu.vector_store %arg8[%swap3A_64, %swap3A_65], %swap3A_68 {strides = array<i32>} : memref<128x128xf32, #tpu.memory_space<vmem>>, vector<1x16xf32>,
      %broadcast_in_dim3A_69 = arith.constant 0.000000e+00 : f32
      %broadcast_in_dim3A_70 = vector.broadcast %broadcast_in_dim3A_69 : f32 to vector<16xf32>
      %swap3A_71 = arith.index_cast %scan3A_21 : i32 to index
      %swap3A_72 = arith.constant 112 : index
      %swap3A_73 = tpu.vector_load %arg8[%swap3A_71, %swap3A_72] {strides = array<i32>} : memref<128x128xf32, #tpu.memory_space<vmem>>, vector<1x16xf32>,
      %swap3A_74 = vector.shape_cast %swap3A_73 : vector<1x16xf32> to vector<16xf32>
      %swap3A_75 = vector.shape_cast %broadcast_in_dim3A_70 : vector<16xf32> to vector<1x16xf32>
      tpu.vector_store %arg8[%swap3A_71, %swap3A_72], %swap3A_75 {strides = array<i32>} : memref<128x128xf32, #tpu.memory_space<vmem>>, vector<1x16xf32>,
    }
    %scan3A_4 = arith.constant 128 : i32
    %mul3A = arith.constant 640 : i32
    %mul3A_5 = arith.muli %arg1, %mul3A : i32
    %scan3A_6 = arith.constant 0 : i32
    %scan3A_7 = arith.constant 0 : i32
    %scan3A_8 = arith.constant 5 : i32
    %scan3A_9 = arith.addi %scan3A_7, %scan3A_8 : i32
    %scan3A_10 = arith.constant 1 : i32
    scf.for %scan3A_21 = %scan3A_7 to %scan3A_9 step %scan3A_10  : i32 {
      %mul3A_22 = arith.constant 128 : i32
      %mul3A_23 = arith.muli %scan3A_21, %mul3A_22 : i32
      %add3A_24 = arith.addi %mul3A_5, %mul3A_23 : i32
      "tpu.region"() ({
        %run_scoped3A = tpu.sem_alloc : memref<!tpu.dma_semaphore, #tpu.memory_space<semaphore_mem>>
        %dma_start3A = arith.constant 0 : i32
        %dma_start3A_25 = tpu.memref_slice %arg9[%add3A_24, %dma_start3A] : memref<10240x128xf32, #tpu.memory_space<vmem_shared>> -> memref<128x128xf32, #tpu.memory_space<vmem_shared>>
        %dma_start3A_26 = arith.constant 0 : i32
        %dma_start3A_27 = tpu.memref_slice %arg9[%add3A_24, %dma_start3A_26] : memref<10240x128xf32, #tpu.memory_space<vmem_shared>> -> memref<128x128xf32, #tpu.memory_space<vmem_shared>>
        tpu.enqueue_dma source(%arg8 : memref<128x128xf32, #tpu.memory_space<vmem>>) target(%dma_start3A_27 : memref<128x128xf32, #tpu.memory_space<vmem_shared>>) target_semaphore(%run_scoped3A : memref<!tpu.dma_semaphore, #tpu.memory_space<semaphore_mem>>)
        %dma_wait3A = arith.constant 0 : i32
        %dma_wait3A_28 = tpu.memref_slice %arg9[%add3A_24, %dma_wait3A] : memref<10240x128xf32, #tpu.memory_space<vmem_shared>> -> memref<128x128xf32, #tpu.memory_space<vmem_shared>>
        %dma_wait3A_29 = arith.constant 0 : i32
        %dma_wait3A_30 = tpu.memref_slice %arg9[%add3A_24, %dma_wait3A_29] : memref<10240x128xf32, #tpu.memory_space<vmem_shared>> -> memref<128x128xf32, #tpu.memory_space<vmem_shared>>
        tpu.wait_dma2 semaphore(%run_scoped3A : memref<!tpu.dma_semaphore, #tpu.memory_space<semaphore_mem>>) src(%arg8 : memref<128x128xf32, #tpu.memory_space<vmem>>) dst(%dma_wait3A_30 : memref<128x128xf32, #tpu.memory_space<vmem_shared>>)
        tpu.yield
      }) : () -> ()
    }
    %scan3A_11 = arith.constant 5 : i32
    %mul3A_12 = arith.constant 16 : i32
    %mul3A_13 = arith.muli %arg0, %mul3A_12 : i32
    %add3A = arith.addi %mul3A_13, %arg1 : i32
    "tpu.region"() ({
      %run_scoped3A = tpu.sem_alloc : memref<!tpu.dma_semaphore, #tpu.memory_space<semaphore_mem>>
      %dma_start3A = arith.constant 0 : i32
      %dma_start3A_21 = arith.constant 0 : i32
      %dma_start3A_22 = tpu.memref_slice %arg3[%add3A, %dma_start3A, %dma_start3A_21] : memref<32x81x128xi32, #tpu.memory_space<hbm>> -> memref<1x81x128xi32, #tpu.memory_space<hbm>>
      %dma_start3A_23 = tpu.memref_squeeze %dma_start3A_22 : memref<1x81x128xi32, #tpu.memory_space<hbm>> -> memref<81x128xi32, #tpu.memory_space<hbm>>
      %dma_start3A_24 = arith.constant 0 : i32
      %dma_start3A_25 = arith.constant 0 : i32
      %dma_start3A_26 = tpu.memref_slice %arg3[%add3A, %dma_start3A_24, %dma_start3A_25] : memref<32x81x128xi32, #tpu.memory_space<hbm>> -> memref<1x81x128xi32, #tpu.memory_space<hbm>>
      %dma_start3A_27 = tpu.memref_squeeze %dma_start3A_26 : memref<1x81x128xi32, #tpu.memory_space<hbm>> -> memref<81x128xi32, #tpu.memory_space<hbm>>
      tpu.enqueue_dma source(%dma_start3A_27 : memref<81x128xi32, #tpu.memory_space<hbm>>) target(%arg6 : memref<81x128xi32, #tpu.memory_space<vmem>>) target_semaphore(%run_scoped3A : memref<!tpu.dma_semaphore, #tpu.memory_space<semaphore_mem>>)
      %dma_wait3A = arith.constant 0 : i32
      %dma_wait3A_28 = arith.constant 0 : i32
      %dma_wait3A_29 = tpu.memref_slice %arg3[%add3A, %dma_wait3A, %dma_wait3A_28] : memref<32x81x128xi32, #tpu.memory_space<hbm>> -> memref<1x81x128xi32, #tpu.memory_space<hbm>>
      %dma_wait3A_30 = tpu.memref_squeeze %dma_wait3A_29 : memref<1x81x128xi32, #tpu.memory_space<hbm>> -> memref<81x128xi32, #tpu.memory_space<hbm>>
      %dma_wait3A_31 = arith.constant 0 : i32
      %dma_wait3A_32 = arith.constant 0 : i32
      %dma_wait3A_33 = tpu.memref_slice %arg3[%add3A, %dma_wait3A_31, %dma_wait3A_32] : memref<32x81x128xi32, #tpu.memory_space<hbm>> -> memref<1x81x128xi32, #tpu.memory_space<hbm>>
      %dma_wait3A_34 = tpu.memref_squeeze %dma_wait3A_33 : memref<1x81x128xi32, #tpu.memory_space<hbm>> -> memref<81x128xi32, #tpu.memory_space<hbm>>
      tpu.wait_dma2 semaphore(%run_scoped3A : memref<!tpu.dma_semaphore, #tpu.memory_space<semaphore_mem>>) src(%dma_wait3A_34 : memref<81x128xi32, #tpu.memory_space<hbm>>) dst(%arg6 : memref<81x128xi32, #tpu.memory_space<vmem>>)
      tpu.yield
    }) : () -> ()
    "tpu.region"() ({
      %run_scoped3A = tpu.sem_alloc : memref<!tpu.dma_semaphore, #tpu.memory_space<semaphore_mem>>
      %dma_start3A = arith.constant 0 : i32
      %dma_start3A_21 = arith.constant 0 : i32
      %dma_start3A_22 = tpu.memref_slice %arg4[%add3A, %dma_start3A, %dma_start3A_21] : memref<32x81x128xi32, #tpu.memory_space<hbm>> -> memref<1x81x128xi32, #tpu.memory_space<hbm>>
      %dma_start3A_23 = tpu.memref_squeeze %dma_start3A_22 : memref<1x81x128xi32, #tpu.memory_space<hbm>> -> memref<81x128xi32, #tpu.memory_space<hbm>>
      %dma_start3A_24 = arith.constant 0 : i32
      %dma_start3A_25 = arith.constant 0 : i32
      %dma_start3A_26 = tpu.memref_slice %arg4[%add3A, %dma_start3A_24, %dma_start3A_25] : memref<32x81x128xi32, #tpu.memory_space<hbm>> -> memref<1x81x128xi32, #tpu.memory_space<hbm>>
      %dma_start3A_27 = tpu.memref_squeeze %dma_start3A_26 : memref<1x81x128xi32, #tpu.memory_space<hbm>> -> memref<81x128xi32, #tpu.memory_space<hbm>>
      tpu.enqueue_dma source(%dma_start3A_27 : memref<81x128xi32, #tpu.memory_space<hbm>>) target(%arg7 : memref<81x128xi32, #tpu.memory_space<vmem>>) target_semaphore(%run_scoped3A : memref<!tpu.dma_semaphore, #tpu.memory_space<semaphore_mem>>)
      %dma_wait3A = arith.constant 0 : i32
      %dma_wait3A_28 = arith.constant 0 : i32
      %dma_wait3A_29 = tpu.memref_slice %arg4[%add3A, %dma_wait3A, %dma_wait3A_28] : memref<32x81x128xi32, #tpu.memory_space<hbm>> -> memref<1x81x128xi32, #tpu.memory_space<hbm>>
      %dma_wait3A_30 = tpu.memref_squeeze %dma_wait3A_29 : memref<1x81x128xi32, #tpu.memory_space<hbm>> -> memref<81x128xi32, #tpu.memory_space<hbm>>
      %dma_wait3A_31 = arith.constant 0 : i32
      %dma_wait3A_32 = arith.constant 0 : i32
      %dma_wait3A_33 = tpu.memref_slice %arg4[%add3A, %dma_wait3A_31, %dma_wait3A_32] : memref<32x81x128xi32, #tpu.memory_space<hbm>> -> memref<1x81x128xi32, #tpu.memory_space<hbm>>
      %dma_wait3A_34 = tpu.memref_squeeze %dma_wait3A_33 : memref<1x81x128xi32, #tpu.memory_space<hbm>> -> memref<81x128xi32, #tpu.memory_space<hbm>>
      tpu.wait_dma2 semaphore(%run_scoped3A : memref<!tpu.dma_semaphore, #tpu.memory_space<semaphore_mem>>) src(%dma_wait3A_34 : memref<81x128xi32, #tpu.memory_space<hbm>>) dst(%arg7 : memref<81x128xi32, #tpu.memory_space<vmem>>)
      tpu.yield
    }) : () -> ()
    %barrier3A = arith.constant 0 : index
    tpu.barrier barrier_id(%barrier3A)
    %scan3A_14 = arith.constant 0 : i32
    %scan3A_15 = arith.constant 0 : i32
    %scan3A_16 = arith.constant 81 : i32
    %scan3A_17 = arith.addi %scan3A_15, %scan3A_16 : i32
    %scan3A_18 = arith.constant 1 : i32
    scf.for %scan3A_21 = %scan3A_15 to %scan3A_17 step %scan3A_18  : i32 {
      %dma_start3A = arith.constant 0 : i32
      %dma_start3A_22 = tpu.memref_slice %arg6[%scan3A_21, %dma_start3A] : memref<81x128xi32, #tpu.memory_space<vmem>> -> memref<1x128xi32, #tpu.memory_space<vmem>>
      %dma_start3A_23 = tpu.memref_squeeze %dma_start3A_22 : memref<1x128xi32, #tpu.memory_space<vmem>> -> memref<128xi32, #tpu.memory_space<vmem>>
      %dma_start3A_24 = arith.constant 0 : i32
      %dma_start3A_25 = arith.constant 0 : i32
      %dma_start3A_26 = tpu.memref_slice %arg2[%dma_start3A_24, %dma_start3A_25] : memref<10240x128xf32, #tpu.memory_space<hbm>> -> memref<10240x128xf32, #tpu.memory_space<hbm>>
      tpu.enqueue_indirect_dma source(%dma_start3A_26 : memref<10240x128xf32, #tpu.memory_space<hbm>>) target(%arg8 : memref<128x128xf32, #tpu.memory_space<vmem>>) offsets(%dma_start3A_23 : memref<128xi32, #tpu.memory_space<vmem>>) semaphore(%arg10 : memref<!tpu.dma_semaphore, #tpu.memory_space<semaphore_mem>>)
      %dma_wait3A = arith.constant 0 : i32
      %dma_wait3A_27 = tpu.memref_slice %arg6[%scan3A_21, %dma_wait3A] : memref<81x128xi32, #tpu.memory_space<vmem>> -> memref<1x128xi32, #tpu.memory_space<vmem>>
      %dma_wait3A_28 = tpu.memref_squeeze %dma_wait3A_27 : memref<1x128xi32, #tpu.memory_space<vmem>> -> memref<128xi32, #tpu.memory_space<vmem>>
      %dma_wait3A_29 = arith.constant 0 : i32
      %dma_wait3A_30 = arith.constant 0 : i32
      %dma_wait3A_31 = tpu.memref_slice %arg2[%dma_wait3A_29, %dma_wait3A_30] : memref<10240x128xf32, #tpu.memory_space<hbm>> -> memref<10240x128xf32, #tpu.memory_space<hbm>>
      tpu.wait_indirect_dma semaphore(%arg10 : memref<!tpu.dma_semaphore, #tpu.memory_space<semaphore_mem>>) src(%dma_wait3A_31 : memref<10240x128xf32, #tpu.memory_space<hbm>>) dst(%arg8 : memref<128x128xf32, #tpu.memory_space<vmem>>)
      "tpu.region"() ({
        %run_scoped3A = tpu.sem_alloc : memref<!tpu.dma_semaphore, #tpu.memory_space<semaphore_mem>>
        %dma_start3A_32 = arith.constant 0 : i32
        %dma_start3A_33 = tpu.memref_slice %arg7[%scan3A_21, %dma_start3A_32] : memref<81x128xi32, #tpu.memory_space<vmem>> -> memref<1x128xi32, #tpu.memory_space<vmem>>
        %dma_start3A_34 = tpu.memref_squeeze %dma_start3A_33 : memref<1x128xi32, #tpu.memory_space<vmem>> -> memref<128xi32, #tpu.memory_space<vmem>>
        %dma_start3A_35 = arith.constant 0 : i32
        %dma_start3A_36 = arith.constant 0 : i32
        %dma_start3A_37 = tpu.memref_slice %arg9[%dma_start3A_35, %dma_start3A_36] : memref<10240x128xf32, #tpu.memory_space<vmem_shared>> -> memref<10240x128xf32, #tpu.memory_space<vmem_shared>>
        tpu.enqueue_indirect_dma source(%arg8 : memref<128x128xf32, #tpu.memory_space<vmem>>) target(%dma_start3A_37 : memref<10240x128xf32, #tpu.memory_space<vmem_shared>>) offsets(%dma_start3A_34 : memref<128xi32, #tpu.memory_space<vmem>>) semaphore(%run_scoped3A : memref<!tpu.dma_semaphore, #tpu.memory_space<semaphore_mem>>) {add = true}
        %dma_wait3A_38 = arith.constant 0 : i32
        %dma_wait3A_39 = tpu.memref_slice %arg7[%scan3A_21, %dma_wait3A_38] : memref<81x128xi32, #tpu.memory_space<vmem>> -> memref<1x128xi32, #tpu.memory_space<vmem>>
        %dma_wait3A_40 = tpu.memref_squeeze %dma_wait3A_39 : memref<1x128xi32, #tpu.memory_space<vmem>> -> memref<128xi32, #tpu.memory_space<vmem>>
        %dma_wait3A_41 = arith.constant 0 : i32
        %dma_wait3A_42 = arith.constant 0 : i32
        %dma_wait3A_43 = tpu.memref_slice %arg9[%dma_wait3A_41, %dma_wait3A_42] : memref<10240x128xf32, #tpu.memory_space<vmem_shared>> -> memref<10240x128xf32, #tpu.memory_space<vmem_shared>>
        tpu.wait_indirect_dma semaphore(%run_scoped3A : memref<!tpu.dma_semaphore, #tpu.memory_space<semaphore_mem>>) src(%arg8 : memref<128x128xf32, #tpu.memory_space<vmem>>) dst(%dma_wait3A_43 : memref<10240x128xf32, #tpu.memory_space<vmem_shared>>)
        tpu.yield
      }) : () -> ()
    }
    %scan3A_19 = arith.constant 81 : i32
    %barrier3A_20 = arith.constant 0 : index
    tpu.barrier barrier_id(%barrier3A_20)
    "tpu.region"() ({
      %run_scoped3A = tpu.sem_alloc : memref<!tpu.dma_semaphore, #tpu.memory_space<semaphore_mem>>
      %dma_start3A = arith.constant 0 : i32
      %dma_start3A_21 = tpu.memref_slice %arg5[%arg0, %mul3A_5, %dma_start3A] : memref<2x10240x128xf32, #tpu.memory_space<hbm>> -> memref<1x640x128xf32, #tpu.memory_space<hbm>>
      %dma_start3A_22 = tpu.memref_squeeze %dma_start3A_21 : memref<1x640x128xf32, #tpu.memory_space<hbm>> -> memref<640x128xf32, #tpu.memory_space<hbm>>
      %dma_start3A_23 = arith.constant 0 : i32
      %dma_start3A_24 = tpu.memref_slice %arg9[%mul3A_5, %dma_start3A_23] : memref<10240x128xf32, #tpu.memory_space<vmem_shared>> -> memref<640x128xf32, #tpu.memory_space<vmem_shared>>
      tpu.enqueue_dma source(%dma_start3A_24 : memref<640x128xf32, #tpu.memory_space<vmem_shared>>) target(%dma_start3A_22 : memref<640x128xf32, #tpu.memory_space<hbm>>) target_semaphore(%run_scoped3A : memref<!tpu.dma_semaphore, #tpu.memory_space<semaphore_mem>>)
      %dma_wait3A = arith.constant 0 : i32
      %dma_wait3A_25 = tpu.memref_slice %arg5[%arg0, %mul3A_5, %dma_wait3A] : memref<2x10240x128xf32, #tpu.memory_space<hbm>> -> memref<1x640x128xf32, #tpu.memory_space<hbm>>
      %dma_wait3A_26 = tpu.memref_squeeze %dma_wait3A_25 : memref<1x640x128xf32, #tpu.memory_space<hbm>> -> memref<640x128xf32, #tpu.memory_space<hbm>>
      %dma_wait3A_27 = arith.constant 0 : i32
      %dma_wait3A_28 = tpu.memref_slice %arg9[%mul3A_5, %dma_wait3A_27] : memref<10240x128xf32, #tpu.memory_space<vmem_shared>> -> memref<640x128xf32, #tpu.memory_space<vmem_shared>>
      tpu.wait_dma2 semaphore(%run_scoped3A : memref<!tpu.dma_semaphore, #tpu.memory_space<semaphore_mem>>) src(%dma_wait3A_28 : memref<640x128xf32, #tpu.memory_space<vmem_shared>>) dst(%dma_wait3A_26 : memref<640x128xf32, #tpu.memory_space<hbm>>)
      tpu.yield
    }) : () -> ()
    return
  }
}

#map = affine_map<(d0, d1) -> (0, 0)>
#map1 = affine_map<(d0, d1) -> (0, 0, 0)>
module attributes {stable_mosaic.version = 14 : i64} {
  func.func @_agg_body(%arg0: i32, %arg1: i32, %arg2: memref<10240x128xf32, #tpu.memory_space<hbm>>, %arg3: memref<32x81x128xi32, #tpu.memory_space<hbm>>, %arg4: memref<32x81x128xi32, #tpu.memory_space<hbm>>, %arg5: memref<2x10240x128xf32, #tpu.memory_space<hbm>>, %arg6: memref<81x128xi32, #tpu.memory_space<vmem>>, %arg7: memref<81x128xi32, #tpu.memory_space<vmem>>, %arg8: memref<128x128xf32, #tpu.memory_space<vmem>>, %arg9: memref<10240x128xf32, #tpu.memory_space<vmem_shared>>, %arg10: memref<!tpu.dma_semaphore, #tpu.memory_space<semaphore_mem>>) attributes {dimension_semantics = [#tpu.dimension_semantics<core_parallel>, #tpu.dimension_semantics<subcore_parallel>], iteration_bounds = array<i64: 2, 16>, scalar_prefetch = 0 : i64, scratch_operands = 5 : i64, tpu.core_type = #tpu.core_type<sc_vector_subcore>, window_params = [{transform_indices = #map}, {transform_indices = #map1}, {transform_indices = #map1}, {transform_indices = #map1}]} {
    %scan3A = arith.constant 0 : i32
    %scan3A_0 = arith.constant 0 : i32
    %scan3A_1 = arith.constant 128 : i32
    %scan3A_2 = arith.addi %scan3A_0, %scan3A_1 : i32
    %scan3A_3 = arith.constant 1 : i32
    scf.for %scan3A_21 = %scan3A_0 to %scan3A_2 step %scan3A_3  : i32 {
      %broadcast_in_dim3A = arith.constant 0.000000e+00 : f32
      %broadcast_in_dim3A_22 = vector.broadcast %broadcast_in_dim3A : f32 to vector<16xf32>
      %swap3A = arith.index_cast %scan3A_21 : i32 to index
      %swap3A_23 = arith.constant 0 : index
      %swap3A_24 = tpu.vector_load %arg8[%swap3A, %swap3A_23] {strides = array<i32>} : memref<128x128xf32, #tpu.memory_space<vmem>>, vector<1x16xf32>,
      %swap3A_25 = vector.shape_cast %swap3A_24 : vector<1x16xf32> to vector<16xf32>
      %swap3A_26 = vector.shape_cast %broadcast_in_dim3A_22 : vector<16xf32> to vector<1x16xf32>
      tpu.vector_store %arg8[%swap3A, %swap3A_23], %swap3A_26 {strides = array<i32>} : memref<128x128xf32, #tpu.memory_space<vmem>>, vector<1x16xf32>,
      %broadcast_in_dim3A_27 = arith.constant 0.000000e+00 : f32
      %broadcast_in_dim3A_28 = vector.broadcast %broadcast_in_dim3A_27 : f32 to vector<16xf32>
      %swap3A_29 = arith.index_cast %scan3A_21 : i32 to index
      %swap3A_30 = arith.constant 16 : index
      %swap3A_31 = tpu.vector_load %arg8[%swap3A_29, %swap3A_30] {strides = array<i32>} : memref<128x128xf32, #tpu.memory_space<vmem>>, vector<1x16xf32>,
      %swap3A_32 = vector.shape_cast %swap3A_31 : vector<1x16xf32> to vector<16xf32>
      %swap3A_33 = vector.shape_cast %broadcast_in_dim3A_28 : vector<16xf32> to vector<1x16xf32>
      tpu.vector_store %arg8[%swap3A_29, %swap3A_30], %swap3A_33 {strides = array<i32>} : memref<128x128xf32, #tpu.memory_space<vmem>>, vector<1x16xf32>,
      %broadcast_in_dim3A_34 = arith.constant 0.000000e+00 : f32
      %broadcast_in_dim3A_35 = vector.broadcast %broadcast_in_dim3A_34 : f32 to vector<16xf32>
      %swap3A_36 = arith.index_cast %scan3A_21 : i32 to index
      %swap3A_37 = arith.constant 32 : index
      %swap3A_38 = tpu.vector_load %arg8[%swap3A_36, %swap3A_37] {strides = array<i32>} : memref<128x128xf32, #tpu.memory_space<vmem>>, vector<1x16xf32>,
      %swap3A_39 = vector.shape_cast %swap3A_38 : vector<1x16xf32> to vector<16xf32>
      %swap3A_40 = vector.shape_cast %broadcast_in_dim3A_35 : vector<16xf32> to vector<1x16xf32>
      tpu.vector_store %arg8[%swap3A_36, %swap3A_37], %swap3A_40 {strides = array<i32>} : memref<128x128xf32, #tpu.memory_space<vmem>>, vector<1x16xf32>,
      %broadcast_in_dim3A_41 = arith.constant 0.000000e+00 : f32
      %broadcast_in_dim3A_42 = vector.broadcast %broadcast_in_dim3A_41 : f32 to vector<16xf32>
      %swap3A_43 = arith.index_cast %scan3A_21 : i32 to index
      %swap3A_44 = arith.constant 48 : index
      %swap3A_45 = tpu.vector_load %arg8[%swap3A_43, %swap3A_44] {strides = array<i32>} : memref<128x128xf32, #tpu.memory_space<vmem>>, vector<1x16xf32>,
      %swap3A_46 = vector.shape_cast %swap3A_45 : vector<1x16xf32> to vector<16xf32>
      %swap3A_47 = vector.shape_cast %broadcast_in_dim3A_42 : vector<16xf32> to vector<1x16xf32>
      tpu.vector_store %arg8[%swap3A_43, %swap3A_44], %swap3A_47 {strides = array<i32>} : memref<128x128xf32, #tpu.memory_space<vmem>>, vector<1x16xf32>,
      %broadcast_in_dim3A_48 = arith.constant 0.000000e+00 : f32
      %broadcast_in_dim3A_49 = vector.broadcast %broadcast_in_dim3A_48 : f32 to vector<16xf32>
      %swap3A_50 = arith.index_cast %scan3A_21 : i32 to index
      %swap3A_51 = arith.constant 64 : index
      %swap3A_52 = tpu.vector_load %arg8[%swap3A_50, %swap3A_51] {strides = array<i32>} : memref<128x128xf32, #tpu.memory_space<vmem>>, vector<1x16xf32>,
      %swap3A_53 = vector.shape_cast %swap3A_52 : vector<1x16xf32> to vector<16xf32>
      %swap3A_54 = vector.shape_cast %broadcast_in_dim3A_49 : vector<16xf32> to vector<1x16xf32>
      tpu.vector_store %arg8[%swap3A_50, %swap3A_51], %swap3A_54 {strides = array<i32>} : memref<128x128xf32, #tpu.memory_space<vmem>>, vector<1x16xf32>,
      %broadcast_in_dim3A_55 = arith.constant 0.000000e+00 : f32
      %broadcast_in_dim3A_56 = vector.broadcast %broadcast_in_dim3A_55 : f32 to vector<16xf32>
      %swap3A_57 = arith.index_cast %scan3A_21 : i32 to index
      %swap3A_58 = arith.constant 80 : index
      %swap3A_59 = tpu.vector_load %arg8[%swap3A_57, %swap3A_58] {strides = array<i32>} : memref<128x128xf32, #tpu.memory_space<vmem>>, vector<1x16xf32>,
      %swap3A_60 = vector.shape_cast %swap3A_59 : vector<1x16xf32> to vector<16xf32>
      %swap3A_61 = vector.shape_cast %broadcast_in_dim3A_56 : vector<16xf32> to vector<1x16xf32>
      tpu.vector_store %arg8[%swap3A_57, %swap3A_58], %swap3A_61 {strides = array<i32>} : memref<128x128xf32, #tpu.memory_space<vmem>>, vector<1x16xf32>,
      %broadcast_in_dim3A_62 = arith.constant 0.000000e+00 : f32
      %broadcast_in_dim3A_63 = vector.broadcast %broadcast_in_dim3A_62 : f32 to vector<16xf32>
      %swap3A_64 = arith.index_cast %scan3A_21 : i32 to index
      %swap3A_65 = arith.constant 96 : index
      %swap3A_66 = tpu.vector_load %arg8[%swap3A_64, %swap3A_65] {strides = array<i32>} : memref<128x128xf32, #tpu.memory_space<vmem>>, vector<1x16xf32>,
      %swap3A_67 = vector.shape_cast %swap3A_66 : vector<1x16xf32> to vector<16xf32>
      %swap3A_68 = vector.shape_cast %broadcast_in_dim3A_63 : vector<16xf32> to vector<1x16xf32>
      tpu.vector_store %arg8[%swap3A_64, %swap3A_65], %swap3A_68 {strides = array<i32>} : memref<128x128xf32, #tpu.memory_space<vmem>>, vector<1x16xf32>,
      %broadcast_in_dim3A_69 = arith.constant 0.000000e+00 : f32
      %broadcast_in_dim3A_70 = vector.broadcast %broadcast_in_dim3A_69 : f32 to vector<16xf32>
      %swap3A_71 = arith.index_cast %scan3A_21 : i32 to index
      %swap3A_72 = arith.constant 112 : index
      %swap3A_73 = tpu.vector_load %arg8[%swap3A_71, %swap3A_72] {strides = array<i32>} : memref<128x128xf32, #tpu.memory_space<vmem>>, vector<1x16xf32>,
      %swap3A_74 = vector.shape_cast %swap3A_73 : vector<1x16xf32> to vector<16xf32>
      %swap3A_75 = vector.shape_cast %broadcast_in_dim3A_70 : vector<16xf32> to vector<1x16xf32>
      tpu.vector_store %arg8[%swap3A_71, %swap3A_72], %swap3A_75 {strides = array<i32>} : memref<128x128xf32, #tpu.memory_space<vmem>>, vector<1x16xf32>,
    }
    %scan3A_4 = arith.constant 128 : i32
    %mul3A = arith.constant 640 : i32
    %mul3A_5 = arith.muli %arg1, %mul3A : i32
    %scan3A_6 = arith.constant 0 : i32
    %scan3A_7 = arith.constant 0 : i32
    %scan3A_8 = arith.constant 5 : i32
    %scan3A_9 = arith.addi %scan3A_7, %scan3A_8 : i32
    %scan3A_10 = arith.constant 1 : i32
    scf.for %scan3A_21 = %scan3A_7 to %scan3A_9 step %scan3A_10  : i32 {
      %mul3A_22 = arith.constant 128 : i32
      %mul3A_23 = arith.muli %scan3A_21, %mul3A_22 : i32
      %add3A_24 = arith.addi %mul3A_5, %mul3A_23 : i32
      "tpu.region"() ({
        %run_scoped3A = tpu.sem_alloc : memref<!tpu.dma_semaphore, #tpu.memory_space<semaphore_mem>>
        %dma_start3A = arith.constant 0 : i32
        %dma_start3A_25 = tpu.memref_slice %arg9[%add3A_24, %dma_start3A] : memref<10240x128xf32, #tpu.memory_space<vmem_shared>> -> memref<128x128xf32, #tpu.memory_space<vmem_shared>>
        %dma_start3A_26 = arith.constant 0 : i32
        %dma_start3A_27 = tpu.memref_slice %arg9[%add3A_24, %dma_start3A_26] : memref<10240x128xf32, #tpu.memory_space<vmem_shared>> -> memref<128x128xf32, #tpu.memory_space<vmem_shared>>
        tpu.enqueue_dma source(%arg8 : memref<128x128xf32, #tpu.memory_space<vmem>>) target(%dma_start3A_27 : memref<128x128xf32, #tpu.memory_space<vmem_shared>>) target_semaphore(%run_scoped3A : memref<!tpu.dma_semaphore, #tpu.memory_space<semaphore_mem>>)
        %dma_wait3A = arith.constant 0 : i32
        %dma_wait3A_28 = tpu.memref_slice %arg9[%add3A_24, %dma_wait3A] : memref<10240x128xf32, #tpu.memory_space<vmem_shared>> -> memref<128x128xf32, #tpu.memory_space<vmem_shared>>
        %dma_wait3A_29 = arith.constant 0 : i32
        %dma_wait3A_30 = tpu.memref_slice %arg9[%add3A_24, %dma_wait3A_29] : memref<10240x128xf32, #tpu.memory_space<vmem_shared>> -> memref<128x128xf32, #tpu.memory_space<vmem_shared>>
        tpu.wait_dma2 semaphore(%run_scoped3A : memref<!tpu.dma_semaphore, #tpu.memory_space<semaphore_mem>>) src(%arg8 : memref<128x128xf32, #tpu.memory_space<vmem>>) dst(%dma_wait3A_30 : memref<128x128xf32, #tpu.memory_space<vmem_shared>>)
        tpu.yield
      }) : () -> ()
    }
    %scan3A_11 = arith.constant 5 : i32
    %mul3A_12 = arith.constant 16 : i32
    %mul3A_13 = arith.muli %arg0, %mul3A_12 : i32
    %add3A = arith.addi %mul3A_13, %arg1 : i32
    "tpu.region"() ({
      %run_scoped3A = tpu.sem_alloc : memref<!tpu.dma_semaphore, #tpu.memory_space<semaphore_mem>>
      %dma_start3A = arith.constant 0 : i32
      %dma_start3A_21 = arith.constant 0 : i32
      %dma_start3A_22 = tpu.memref_slice %arg3[%add3A, %dma_start3A, %dma_start3A_21] : memref<32x81x128xi32, #tpu.memory_space<hbm>> -> memref<1x81x128xi32, #tpu.memory_space<hbm>>
      %dma_start3A_23 = tpu.memref_squeeze %dma_start3A_22 : memref<1x81x128xi32, #tpu.memory_space<hbm>> -> memref<81x128xi32, #tpu.memory_space<hbm>>
      %dma_start3A_24 = arith.constant 0 : i32
      %dma_start3A_25 = arith.constant 0 : i32
      %dma_start3A_26 = tpu.memref_slice %arg3[%add3A, %dma_start3A_24, %dma_start3A_25] : memref<32x81x128xi32, #tpu.memory_space<hbm>> -> memref<1x81x128xi32, #tpu.memory_space<hbm>>
      %dma_start3A_27 = tpu.memref_squeeze %dma_start3A_26 : memref<1x81x128xi32, #tpu.memory_space<hbm>> -> memref<81x128xi32, #tpu.memory_space<hbm>>
      tpu.enqueue_dma source(%dma_start3A_27 : memref<81x128xi32, #tpu.memory_space<hbm>>) target(%arg6 : memref<81x128xi32, #tpu.memory_space<vmem>>) target_semaphore(%run_scoped3A : memref<!tpu.dma_semaphore, #tpu.memory_space<semaphore_mem>>)
      %dma_wait3A = arith.constant 0 : i32
      %dma_wait3A_28 = arith.constant 0 : i32
      %dma_wait3A_29 = tpu.memref_slice %arg3[%add3A, %dma_wait3A, %dma_wait3A_28] : memref<32x81x128xi32, #tpu.memory_space<hbm>> -> memref<1x81x128xi32, #tpu.memory_space<hbm>>
      %dma_wait3A_30 = tpu.memref_squeeze %dma_wait3A_29 : memref<1x81x128xi32, #tpu.memory_space<hbm>> -> memref<81x128xi32, #tpu.memory_space<hbm>>
      %dma_wait3A_31 = arith.constant 0 : i32
      %dma_wait3A_32 = arith.constant 0 : i32
      %dma_wait3A_33 = tpu.memref_slice %arg3[%add3A, %dma_wait3A_31, %dma_wait3A_32] : memref<32x81x128xi32, #tpu.memory_space<hbm>> -> memref<1x81x128xi32, #tpu.memory_space<hbm>>
      %dma_wait3A_34 = tpu.memref_squeeze %dma_wait3A_33 : memref<1x81x128xi32, #tpu.memory_space<hbm>> -> memref<81x128xi32, #tpu.memory_space<hbm>>
      tpu.wait_dma2 semaphore(%run_scoped3A : memref<!tpu.dma_semaphore, #tpu.memory_space<semaphore_mem>>) src(%dma_wait3A_34 : memref<81x128xi32, #tpu.memory_space<hbm>>) dst(%arg6 : memref<81x128xi32, #tpu.memory_space<vmem>>)
      tpu.yield
    }) : () -> ()
    "tpu.region"() ({
      %run_scoped3A = tpu.sem_alloc : memref<!tpu.dma_semaphore, #tpu.memory_space<semaphore_mem>>
      %dma_start3A = arith.constant 0 : i32
      %dma_start3A_21 = arith.constant 0 : i32
      %dma_start3A_22 = tpu.memref_slice %arg4[%add3A, %dma_start3A, %dma_start3A_21] : memref<32x81x128xi32, #tpu.memory_space<hbm>> -> memref<1x81x128xi32, #tpu.memory_space<hbm>>
      %dma_start3A_23 = tpu.memref_squeeze %dma_start3A_22 : memref<1x81x128xi32, #tpu.memory_space<hbm>> -> memref<81x128xi32, #tpu.memory_space<hbm>>
      %dma_start3A_24 = arith.constant 0 : i32
      %dma_start3A_25 = arith.constant 0 : i32
      %dma_start3A_26 = tpu.memref_slice %arg4[%add3A, %dma_start3A_24, %dma_start3A_25] : memref<32x81x128xi32, #tpu.memory_space<hbm>> -> memref<1x81x128xi32, #tpu.memory_space<hbm>>
      %dma_start3A_27 = tpu.memref_squeeze %dma_start3A_26 : memref<1x81x128xi32, #tpu.memory_space<hbm>> -> memref<81x128xi32, #tpu.memory_space<hbm>>
      tpu.enqueue_dma source(%dma_start3A_27 : memref<81x128xi32, #tpu.memory_space<hbm>>) target(%arg7 : memref<81x128xi32, #tpu.memory_space<vmem>>) target_semaphore(%run_scoped3A : memref<!tpu.dma_semaphore, #tpu.memory_space<semaphore_mem>>)
      %dma_wait3A = arith.constant 0 : i32
      %dma_wait3A_28 = arith.constant 0 : i32
      %dma_wait3A_29 = tpu.memref_slice %arg4[%add3A, %dma_wait3A, %dma_wait3A_28] : memref<32x81x128xi32, #tpu.memory_space<hbm>> -> memref<1x81x128xi32, #tpu.memory_space<hbm>>
      %dma_wait3A_30 = tpu.memref_squeeze %dma_wait3A_29 : memref<1x81x128xi32, #tpu.memory_space<hbm>> -> memref<81x128xi32, #tpu.memory_space<hbm>>
      %dma_wait3A_31 = arith.constant 0 : i32
      %dma_wait3A_32 = arith.constant 0 : i32
      %dma_wait3A_33 = tpu.memref_slice %arg4[%add3A, %dma_wait3A_31, %dma_wait3A_32] : memref<32x81x128xi32, #tpu.memory_space<hbm>> -> memref<1x81x128xi32, #tpu.memory_space<hbm>>
      %dma_wait3A_34 = tpu.memref_squeeze %dma_wait3A_33 : memref<1x81x128xi32, #tpu.memory_space<hbm>> -> memref<81x128xi32, #tpu.memory_space<hbm>>
      tpu.wait_dma2 semaphore(%run_scoped3A : memref<!tpu.dma_semaphore, #tpu.memory_space<semaphore_mem>>) src(%dma_wait3A_34 : memref<81x128xi32, #tpu.memory_space<hbm>>) dst(%arg7 : memref<81x128xi32, #tpu.memory_space<vmem>>)
      tpu.yield
    }) : () -> ()
    %barrier3A = arith.constant 0 : index
    tpu.barrier barrier_id(%barrier3A)
    %scan3A_14 = arith.constant 0 : i32
    %scan3A_15 = arith.constant 0 : i32
    %scan3A_16 = arith.constant 81 : i32
    %scan3A_17 = arith.addi %scan3A_15, %scan3A_16 : i32
    %scan3A_18 = arith.constant 1 : i32
    scf.for %scan3A_21 = %scan3A_15 to %scan3A_17 step %scan3A_18  : i32 {
      %dma_start3A = arith.constant 0 : i32
      %dma_start3A_22 = tpu.memref_slice %arg6[%scan3A_21, %dma_start3A] : memref<81x128xi32, #tpu.memory_space<vmem>> -> memref<1x128xi32, #tpu.memory_space<vmem>>
      %dma_start3A_23 = tpu.memref_squeeze %dma_start3A_22 : memref<1x128xi32, #tpu.memory_space<vmem>> -> memref<128xi32, #tpu.memory_space<vmem>>
      %dma_start3A_24 = arith.constant 0 : i32
      %dma_start3A_25 = arith.constant 0 : i32
      %dma_start3A_26 = tpu.memref_slice %arg2[%dma_start3A_24, %dma_start3A_25] : memref<10240x128xf32, #tpu.memory_space<hbm>> -> memref<10240x128xf32, #tpu.memory_space<hbm>>
      tpu.enqueue_indirect_dma source(%dma_start3A_26 : memref<10240x128xf32, #tpu.memory_space<hbm>>) target(%arg8 : memref<128x128xf32, #tpu.memory_space<vmem>>) offsets(%dma_start3A_23 : memref<128xi32, #tpu.memory_space<vmem>>) semaphore(%arg10 : memref<!tpu.dma_semaphore, #tpu.memory_space<semaphore_mem>>)
      %dma_wait3A = arith.constant 0 : i32
      %dma_wait3A_27 = tpu.memref_slice %arg6[%scan3A_21, %dma_wait3A] : memref<81x128xi32, #tpu.memory_space<vmem>> -> memref<1x128xi32, #tpu.memory_space<vmem>>
      %dma_wait3A_28 = tpu.memref_squeeze %dma_wait3A_27 : memref<1x128xi32, #tpu.memory_space<vmem>> -> memref<128xi32, #tpu.memory_space<vmem>>
      %dma_wait3A_29 = arith.constant 0 : i32
      %dma_wait3A_30 = arith.constant 0 : i32
      %dma_wait3A_31 = tpu.memref_slice %arg2[%dma_wait3A_29, %dma_wait3A_30] : memref<10240x128xf32, #tpu.memory_space<hbm>> -> memref<10240x128xf32, #tpu.memory_space<hbm>>
      tpu.wait_indirect_dma semaphore(%arg10 : memref<!tpu.dma_semaphore, #tpu.memory_space<semaphore_mem>>) src(%dma_wait3A_31 : memref<10240x128xf32, #tpu.memory_space<hbm>>) dst(%arg8 : memref<128x128xf32, #tpu.memory_space<vmem>>)
      "tpu.region"() ({
        %run_scoped3A = tpu.sem_alloc : memref<!tpu.dma_semaphore, #tpu.memory_space<semaphore_mem>>
        %dma_start3A_32 = arith.constant 0 : i32
        %dma_start3A_33 = tpu.memref_slice %arg7[%scan3A_21, %dma_start3A_32] : memref<81x128xi32, #tpu.memory_space<vmem>> -> memref<1x128xi32, #tpu.memory_space<vmem>>
        %dma_start3A_34 = tpu.memref_squeeze %dma_start3A_33 : memref<1x128xi32, #tpu.memory_space<vmem>> -> memref<128xi32, #tpu.memory_space<vmem>>
        %dma_start3A_35 = arith.constant 0 : i32
        %dma_start3A_36 = arith.constant 0 : i32
        %dma_start3A_37 = tpu.memref_slice %arg9[%dma_start3A_35, %dma_start3A_36] : memref<10240x128xf32, #tpu.memory_space<vmem_shared>> -> memref<10240x128xf32, #tpu.memory_space<vmem_shared>>
        tpu.enqueue_indirect_dma source(%arg8 : memref<128x128xf32, #tpu.memory_space<vmem>>) target(%dma_start3A_37 : memref<10240x128xf32, #tpu.memory_space<vmem_shared>>) offsets(%dma_start3A_34 : memref<128xi32, #tpu.memory_space<vmem>>) semaphore(%run_scoped3A : memref<!tpu.dma_semaphore, #tpu.memory_space<semaphore_mem>>) {add = true}
        %dma_wait3A_38 = arith.constant 0 : i32
        %dma_wait3A_39 = tpu.memref_slice %arg7[%scan3A_21, %dma_wait3A_38] : memref<81x128xi32, #tpu.memory_space<vmem>> -> memref<1x128xi32, #tpu.memory_space<vmem>>
        %dma_wait3A_40 = tpu.memref_squeeze %dma_wait3A_39 : memref<1x128xi32, #tpu.memory_space<vmem>> -> memref<128xi32, #tpu.memory_space<vmem>>
        %dma_wait3A_41 = arith.constant 0 : i32
        %dma_wait3A_42 = arith.constant 0 : i32
        %dma_wait3A_43 = tpu.memref_slice %arg9[%dma_wait3A_41, %dma_wait3A_42] : memref<10240x128xf32, #tpu.memory_space<vmem_shared>> -> memref<10240x128xf32, #tpu.memory_space<vmem_shared>>
        tpu.wait_indirect_dma semaphore(%run_scoped3A : memref<!tpu.dma_semaphore, #tpu.memory_space<semaphore_mem>>) src(%arg8 : memref<128x128xf32, #tpu.memory_space<vmem>>) dst(%dma_wait3A_43 : memref<10240x128xf32, #tpu.memory_space<vmem_shared>>)
        tpu.yield
      }) : () -> ()
    }
    %scan3A_19 = arith.constant 81 : i32
    %barrier3A_20 = arith.constant 0 : index
    tpu.barrier barrier_id(%barrier3A_20)
    "tpu.region"() ({
      %run_scoped3A = tpu.sem_alloc : memref<!tpu.dma_semaphore, #tpu.memory_space<semaphore_mem>>
      %dma_start3A = arith.constant 0 : i32
      %dma_start3A_21 = tpu.memref_slice %arg5[%arg0, %mul3A_5, %dma_start3A] : memref<2x10240x128xf32, #tpu.memory_space<hbm>> -> memref<1x640x128xf32, #tpu.memory_space<hbm>>
      %dma_start3A_22 = tpu.memref_squeeze %dma_start3A_21 : memref<1x640x128xf32, #tpu.memory_space<hbm>> -> memref<640x128xf32, #tpu.memory_space<hbm>>
      %dma_start3A_23 = arith.constant 0 : i32
      %dma_start3A_24 = tpu.memref_slice %arg9[%mul3A_5, %dma_start3A_23] : memref<10240x128xf32, #tpu.memory_space<vmem_shared>> -> memref<640x128xf32, #tpu.memory_space<vmem_shared>>
      tpu.enqueue_dma source(%dma_start3A_24 : memref<640x128xf32, #tpu.memory_space<vmem_shared>>) target(%dma_start3A_22 : memref<640x128xf32, #tpu.memory_space<hbm>>) target_semaphore(%run_scoped3A : memref<!tpu.dma_semaphore, #tpu.memory_space<semaphore_mem>>)
      %dma_wait3A = arith.constant 0 : i32
      %dma_wait3A_25 = tpu.memref_slice %arg5[%arg0, %mul3A_5, %dma_wait3A] : memref<2x10240x128xf32, #tpu.memory_space<hbm>> -> memref<1x640x128xf32, #tpu.memory_space<hbm>>
      %dma_wait3A_26 = tpu.memref_squeeze %dma_wait3A_25 : memref<1x640x128xf32, #tpu.memory_space<hbm>> -> memref<640x128xf32, #tpu.memory_space<hbm>>
      %dma_wait3A_27 = arith.constant 0 : i32
      %dma_wait3A_28 = tpu.memref_slice %arg9[%mul3A_5, %dma_wait3A_27] : memref<10240x128xf32, #tpu.memory_space<vmem_shared>> -> memref<640x128xf32, #tpu.memory_space<vmem_shared>>
      tpu.wait_dma2 semaphore(%run_scoped3A : memref<!tpu.dma_semaphore, #tpu.memory_space<semaphore_mem>>) src(%dma_wait3A_28 : memref<640x128xf32, #tpu.memory_space<vmem_shared>>) dst(%dma_wait3A_26 : memref<640x128xf32, #tpu.memory_space<hbm>>)
      tpu.yield
    }) : () -> ()
    return
  }
}

module attributes {stable_mosaic.version = 14 : i64} {
  func.func @_tc1_body(%arg0: i32, %arg1: memref<512x128xf32, #tpu.memory_space<vmem>>, %arg2: memref<128x128xf32, #tpu.memory_space<vmem>>, %arg3: memref<2x512x128xf32, #tpu.memory_space<vmem>>, %arg4: memref<512x128xf32, #tpu.memory_space<vmem>>) attributes {dimension_semantics = [#tpu.dimension_semantics<arbitrary>], iteration_bounds = array<i64: 20>, scalar_prefetch = 0 : i64, scratch_operands = 0 : i64, tpu.core_type = #tpu.core_type<tc>, window_params = [{transform_indices = @transform_0, window_bounds = array<i64: 512, 128>}, {pipeline_mode = #tpu.pipeline_mode<synchronous>, transform_indices = @transform_1, window_bounds = array<i64: 128, 128>}, {transform_indices = @transform_2, window_bounds = array<i64: 2, 512, 128>}, {transform_indices = @transform_3, window_bounds = array<i64: 512, 128>}]} {
    %get3A = arith.constant 0 : index
    %get3A_0 = arith.constant 0 : index
    %get3A_1 = arith.constant 0 : index
    %get3A_2 = vector.load %arg3[%get3A, %get3A_0, %get3A_1] : memref<2x512x128xf32, #tpu.memory_space<vmem>>, vector<2x512x128xf32>
    %slice3A = vector.extract_strided_slice %get3A_2 {offsets = [0, 0, 0], sizes = [1, 512, 128], strides = [1, 1, 1]} : vector<2x512x128xf32> to vector<1x512x128xf32>
    %squeeze3A = vector.shape_cast %slice3A : vector<1x512x128xf32> to vector<512x128xf32>
    %slice3A_3 = vector.extract_strided_slice %get3A_2 {offsets = [1, 0, 0], sizes = [1, 512, 128], strides = [1, 1, 1]} : vector<2x512x128xf32> to vector<1x512x128xf32>
    %squeeze3A_4 = vector.shape_cast %slice3A_3 : vector<1x512x128xf32> to vector<512x128xf32>
    %add3A = arith.addf %squeeze3A, %squeeze3A_4 : vector<512x128xf32>
    %gt3A = arith.constant 0.000000e+00 : f32
    %gt3A_5 = vector.broadcast %gt3A : f32 to vector<512x128xf32>
    %gt3A_6 = arith.cmpf ogt, %add3A, %gt3A_5 : vector<512x128xf32>
    %rsqrt3A = math.rsqrt %add3A : vector<512x128xf32>
    %jit3A = arith.constant 0.000000e+00 : f32
    %broadcast_in_dim3A = vector.broadcast %jit3A : f32 to vector<512x128xf32>
    %select_n3A = arith.select %gt3A_6, %rsqrt3A, %broadcast_in_dim3A : vector<512x128xi1>, vector<512x128xf32>
    %slice3A_7 = vector.extract_strided_slice %select_n3A {offsets = [0, 0], sizes = [512, 1], strides = [1, 1]} : vector<512x128xf32> to vector<512x1xf32>
    %get3A_8 = arith.constant 0 : index
    %get3A_9 = arith.constant 0 : index
    %get3A_10 = vector.load %arg1[%get3A_8, %get3A_9] : memref<512x128xf32, #tpu.memory_space<vmem>>, vector<512x128xf32>
    %get3A_11 = arith.constant 0 : index
    %get3A_12 = arith.constant 0 : index
    %get3A_13 = vector.load %arg2[%get3A_11, %get3A_12] : memref<128x128xf32, #tpu.memory_space<vmem>>, vector<128x128xf32>
    %dot_general3A = arith.constant dense<0.000000e+00> : vector<512x128xf32>
    %dot_general3A_14 = tpu.matmul %get3A_10, %get3A_13, %dot_general3A {dimension_numbers = #tpu.dot_dimension_numbers<[1], [0], [0], [1], [0, 0, 1, 1], [], []>, transpose_lhs_hint = false} : vector<512x128xf32>, vector<128x128xf32>, vector<512x128xf32> -> vector<512x128xf32>
    %mul3A = vector.broadcast %slice3A_7 : vector<512x1xf32> to vector<512x128xf32>
    %mul3A_15 = arith.mulf %dot_general3A_14, %mul3A : vector<512x128xf32>
    %swap3A = arith.constant 0 : index
    %swap3A_16 = arith.constant 0 : index
    %swap3A_17 = vector.load %arg4[%swap3A, %swap3A_16] : memref<512x128xf32, #tpu.memory_space<vmem>>, vector<512x128xf32>
    tpu.vector_store %arg4[%swap3A, %swap3A_16], %mul3A_15 {strides = array<i32>} : memref<512x128xf32, #tpu.memory_space<vmem>>, vector<512x128xf32>,
    return
  }
  func.func @transform_0(%arg0: i32) -> (i32, i32) {
    %c0_i32 = arith.constant 0 : i32
    %c0_i32_0 = arith.constant 0 : i32
    return %arg0, %c0_i32 : i32, i32
  }
  func.func @transform_1(%arg0: i32) -> (i32, i32) {
    %c0_i32 = arith.constant 0 : i32
    %c0_i32_0 = arith.constant 0 : i32
    %c0_i32_1 = arith.constant 0 : i32
    return %c0_i32, %c0_i32_0 : i32, i32
  }
  func.func @transform_2(%arg0: i32) -> (i32, i32, i32) {
    %c0_i32 = arith.constant 0 : i32
    %c0_i32_0 = arith.constant 0 : i32
    %c0_i32_1 = arith.constant 0 : i32
    return %c0_i32, %arg0, %c0_i32_0 : i32, i32, i32
  }
  func.func @transform_3(%arg0: i32) -> (i32, i32) {
    %c0_i32 = arith.constant 0 : i32
    %c0_i32_0 = arith.constant 0 : i32
    return %arg0, %c0_i32 : i32, i32
  }
}

module attributes {stable_mosaic.version = 14 : i64} {
  func.func @_tc2_body(%arg0: i32, %arg1: memref<2x512x128xf32, #tpu.memory_space<vmem>>, %arg2: memref<2x512x128xf32, #tpu.memory_space<vmem>>, %arg3: memref<1x128xf32, #tpu.memory_space<vmem>>, %arg4: memref<512x128xf32, #tpu.memory_space<vmem>>) attributes {dimension_semantics = [#tpu.dimension_semantics<arbitrary>], iteration_bounds = array<i64: 20>, scalar_prefetch = 0 : i64, scratch_operands = 0 : i64, tpu.core_type = #tpu.core_type<tc>, window_params = [{transform_indices = @transform_0, window_bounds = array<i64: 2, 512, 128>}, {transform_indices = @transform_1, window_bounds = array<i64: 2, 512, 128>}, {pipeline_mode = #tpu.pipeline_mode<synchronous>, transform_indices = @transform_2, window_bounds = array<i64: 1, 128>}, {transform_indices = @transform_3, window_bounds = array<i64: 512, 128>}]} {
    %get3A = arith.constant 0 : index
    %get3A_0 = arith.constant 0 : index
    %get3A_1 = arith.constant 0 : index
    %get3A_2 = vector.load %arg2[%get3A, %get3A_0, %get3A_1] : memref<2x512x128xf32, #tpu.memory_space<vmem>>, vector<2x512x128xf32>
    %slice3A = vector.extract_strided_slice %get3A_2 {offsets = [0, 0, 0], sizes = [1, 512, 128], strides = [1, 1, 1]} : vector<2x512x128xf32> to vector<1x512x128xf32>
    %squeeze3A = vector.shape_cast %slice3A : vector<1x512x128xf32> to vector<512x128xf32>
    %slice3A_3 = vector.extract_strided_slice %get3A_2 {offsets = [1, 0, 0], sizes = [1, 512, 128], strides = [1, 1, 1]} : vector<2x512x128xf32> to vector<1x512x128xf32>
    %squeeze3A_4 = vector.shape_cast %slice3A_3 : vector<1x512x128xf32> to vector<512x128xf32>
    %add3A = arith.addf %squeeze3A, %squeeze3A_4 : vector<512x128xf32>
    %gt3A = arith.constant 0.000000e+00 : f32
    %gt3A_5 = vector.broadcast %gt3A : f32 to vector<512x128xf32>
    %gt3A_6 = arith.cmpf ogt, %add3A, %gt3A_5 : vector<512x128xf32>
    %rsqrt3A = math.rsqrt %add3A : vector<512x128xf32>
    %jit3A = arith.constant 0.000000e+00 : f32
    %broadcast_in_dim3A = vector.broadcast %jit3A : f32 to vector<512x128xf32>
    %select_n3A = arith.select %gt3A_6, %rsqrt3A, %broadcast_in_dim3A : vector<512x128xi1>, vector<512x128xf32>
    %slice3A_7 = vector.extract_strided_slice %select_n3A {offsets = [0, 0], sizes = [512, 1], strides = [1, 1]} : vector<512x128xf32> to vector<512x1xf32>
    %get3A_8 = arith.constant 0 : index
    %get3A_9 = arith.constant 0 : index
    %get3A_10 = arith.constant 0 : index
    %get3A_11 = vector.load %arg1[%get3A_8, %get3A_9, %get3A_10] : memref<2x512x128xf32, #tpu.memory_space<vmem>>, vector<1x512x128xf32>
    %get3A_12 = vector.shape_cast %get3A_11 : vector<1x512x128xf32> to vector<512x128xf32>
    %get3A_13 = arith.constant 1 : index
    %get3A_14 = arith.constant 0 : index
    %get3A_15 = arith.constant 0 : index
    %get3A_16 = vector.load %arg1[%get3A_13, %get3A_14, %get3A_15] : memref<2x512x128xf32, #tpu.memory_space<vmem>>, vector<1x512x128xf32>
    %get3A_17 = vector.shape_cast %get3A_16 : vector<1x512x128xf32> to vector<512x128xf32>
    %add3A_18 = arith.addf %get3A_12, %get3A_17 : vector<512x128xf32>
    %mul3A = vector.broadcast %slice3A_7 : vector<512x1xf32> to vector<512x128xf32>
    %mul3A_19 = arith.mulf %add3A_18, %mul3A : vector<512x128xf32>
    %get3A_20 = arith.constant 0 : index
    %get3A_21 = arith.constant 0 : index
    %get3A_22 = vector.load %arg3[%get3A_20, %get3A_21] : memref<1x128xf32, #tpu.memory_space<vmem>>, vector<1x128xf32>
    %add3A_23 = vector.broadcast %get3A_22 : vector<1x128xf32> to vector<512x128xf32>
    %add3A_24 = arith.addf %mul3A_19, %add3A_23 : vector<512x128xf32>
    %max3A = arith.constant 0.000000e+00 : f32
    %max3A_25 = vector.broadcast %max3A : f32 to vector<512x128xf32>
    %max3A_26 = arith.maximumf %add3A_24, %max3A_25 : vector<512x128xf32>
    %mul3A_27 = vector.broadcast %slice3A_7 : vector<512x1xf32> to vector<512x128xf32>
    %mul3A_28 = arith.mulf %max3A_26, %mul3A_27 : vector<512x128xf32>
    %swap3A = arith.constant 0 : index
    %swap3A_29 = arith.constant 0 : index
    %swap3A_30 = vector.load %arg4[%swap3A, %swap3A_29] : memref<512x128xf32, #tpu.memory_space<vmem>>, vector<512x128xf32>
    tpu.vector_store %arg4[%swap3A, %swap3A_29], %mul3A_28 {strides = array<i32>} : memref<512x128xf32, #tpu.memory_space<vmem>>, vector<512x128xf32>,
    return
  }
  func.func @transform_0(%arg0: i32) -> (i32, i32, i32) {
    %c0_i32 = arith.constant 0 : i32
    %c0_i32_0 = arith.constant 0 : i32
    %c0_i32_1 = arith.constant 0 : i32
    return %c0_i32, %arg0, %c0_i32_0 : i32, i32, i32
  }
  func.func @transform_1(%arg0: i32) -> (i32, i32, i32) {
    %c0_i32 = arith.constant 0 : i32
    %c0_i32_0 = arith.constant 0 : i32
    %c0_i32_1 = arith.constant 0 : i32
    return %c0_i32, %arg0, %c0_i32_0 : i32, i32, i32
  }
  func.func @transform_2(%arg0: i32) -> (i32, i32) {
    %c0_i32 = arith.constant 0 : i32
    %c0_i32_0 = arith.constant 0 : i32
    %c0_i32_1 = arith.constant 0 : i32
    return %c0_i32, %c0_i32_0 : i32, i32
  }
  func.func @transform_3(%arg0: i32) -> (i32, i32) {
    %c0_i32 = arith.constant 0 : i32
    %c0_i32_0 = arith.constant 0 : i32
    return %arg0, %c0_i32 : i32, i32
  }
}

module attributes {stable_mosaic.version = 14 : i64} {
  func.func @_tc3_body(%arg0: i32, %arg1: memref<2x400x128xf32, #tpu.memory_space<vmem>>, %arg2: memref<2x400x128xf32, #tpu.memory_space<vmem>>, %arg3: memref<128x64xf32, #tpu.memory_space<vmem>>, %arg4: memref<1x64xf32, #tpu.memory_space<vmem>>, %arg5: memref<128x64xf32, #tpu.memory_space<vmem>>, %arg6: memref<1x64xf32, #tpu.memory_space<vmem>>, %arg7: memref<400x64xf32, #tpu.memory_space<vmem>>, %arg8: memref<400x64xf32, #tpu.memory_space<vmem>>) attributes {dimension_semantics = [#tpu.dimension_semantics<arbitrary>], iteration_bounds = array<i64: 25>, scalar_prefetch = 0 : i64, scratch_operands = 0 : i64, tpu.core_type = #tpu.core_type<tc>, window_params = [{transform_indices = @transform_0, window_bounds = array<i64: 2, 400, 128>}, {transform_indices = @transform_1, window_bounds = array<i64: 2, 400, 128>}, {pipeline_mode = #tpu.pipeline_mode<synchronous>, transform_indices = @transform_2, window_bounds = array<i64: 128, 64>}, {pipeline_mode = #tpu.pipeline_mode<synchronous>, transform_indices = @transform_3, window_bounds = array<i64: 1, 64>}, {pipeline_mode = #tpu.pipeline_mode<synchronous>, transform_indices = @transform_4, window_bounds = array<i64: 128, 64>}, {pipeline_mode = #tpu.pipeline_mode<synchronous>, transform_indices = @transform_5, window_bounds = array<i64: 1, 64>}, {transform_indices = @transform_6, window_bounds = array<i64: 400, 64>}, {transform_indices = @transform_7, window_bounds = array<i64: 400, 64>}]} {
    %get3A = arith.constant 0 : index
    %get3A_0 = arith.constant 0 : index
    %get3A_1 = arith.constant 0 : index
    %get3A_2 = vector.load %arg2[%get3A, %get3A_0, %get3A_1] : memref<2x400x128xf32, #tpu.memory_space<vmem>>, vector<2x400x128xf32>
    %slice3A = vector.extract_strided_slice %get3A_2 {offsets = [0, 0, 0], sizes = [1, 400, 128], strides = [1, 1, 1]} : vector<2x400x128xf32> to vector<1x400x128xf32>
    %squeeze3A = vector.shape_cast %slice3A : vector<1x400x128xf32> to vector<400x128xf32>
    %slice3A_3 = vector.extract_strided_slice %get3A_2 {offsets = [1, 0, 0], sizes = [1, 400, 128], strides = [1, 1, 1]} : vector<2x400x128xf32> to vector<1x400x128xf32>
    %squeeze3A_4 = vector.shape_cast %slice3A_3 : vector<1x400x128xf32> to vector<400x128xf32>
    %add3A = arith.addf %squeeze3A, %squeeze3A_4 : vector<400x128xf32>
    %gt3A = arith.constant 0.000000e+00 : f32
    %gt3A_5 = vector.broadcast %gt3A : f32 to vector<400x128xf32>
    %gt3A_6 = arith.cmpf ogt, %add3A, %gt3A_5 : vector<400x128xf32>
    %rsqrt3A = math.rsqrt %add3A : vector<400x128xf32>
    %jit3A = arith.constant 0.000000e+00 : f32
    %broadcast_in_dim3A = vector.broadcast %jit3A : f32 to vector<400x128xf32>
    %select_n3A = arith.select %gt3A_6, %rsqrt3A, %broadcast_in_dim3A : vector<400x128xi1>, vector<400x128xf32>
    %slice3A_7 = vector.extract_strided_slice %select_n3A {offsets = [0, 0], sizes = [400, 1], strides = [1, 1]} : vector<400x128xf32> to vector<400x1xf32>
    %get3A_8 = arith.constant 0 : index
    %get3A_9 = arith.constant 0 : index
    %get3A_10 = arith.constant 0 : index
    %get3A_11 = vector.load %arg1[%get3A_8, %get3A_9, %get3A_10] : memref<2x400x128xf32, #tpu.memory_space<vmem>>, vector<1x400x128xf32>
    %get3A_12 = vector.shape_cast %get3A_11 : vector<1x400x128xf32> to vector<400x128xf32>
    %get3A_13 = arith.constant 1 : index
    %get3A_14 = arith.constant 0 : index
    %get3A_15 = arith.constant 0 : index
    %get3A_16 = vector.load %arg1[%get3A_13, %get3A_14, %get3A_15] : memref<2x400x128xf32, #tpu.memory_space<vmem>>, vector<1x400x128xf32>
    %get3A_17 = vector.shape_cast %get3A_16 : vector<1x400x128xf32> to vector<400x128xf32>
    %add3A_18 = arith.addf %get3A_12, %get3A_17 : vector<400x128xf32>
    %mul3A = vector.broadcast %slice3A_7 : vector<400x1xf32> to vector<400x128xf32>
    %mul3A_19 = arith.mulf %add3A_18, %mul3A : vector<400x128xf32>
    %get3A_20 = arith.constant 0 : index
    %get3A_21 = arith.constant 0 : index
    %get3A_22 = vector.load %arg3[%get3A_20, %get3A_21] : memref<128x64xf32, #tpu.memory_space<vmem>>, vector<128x64xf32>
    %dot_general3A = arith.constant dense<0.000000e+00> : vector<400x64xf32>
    %dot_general3A_23 = tpu.matmul %mul3A_19, %get3A_22, %dot_general3A {dimension_numbers = #tpu.dot_dimension_numbers<[1], [0], [0], [1], [0, 0, 1, 1], [], []>, transpose_lhs_hint = false} : vector<400x128xf32>, vector<128x64xf32>, vector<400x64xf32> -> vector<400x64xf32>
    %get3A_24 = arith.constant 0 : index
    %get3A_25 = arith.constant 0 : index
    %get3A_26 = vector.load %arg4[%get3A_24, %get3A_25] : memref<1x64xf32, #tpu.memory_space<vmem>>, vector<1x64xf32>
    %add3A_27 = vector.broadcast %get3A_26 : vector<1x64xf32> to vector<400x64xf32>
    %add3A_28 = arith.addf %dot_general3A_23, %add3A_27 : vector<400x64xf32>
    %swap3A = arith.constant 0 : index
    %swap3A_29 = arith.constant 0 : index
    %swap3A_30 = vector.load %arg7[%swap3A, %swap3A_29] : memref<400x64xf32, #tpu.memory_space<vmem>>, vector<400x64xf32>
    tpu.vector_store %arg7[%swap3A, %swap3A_29], %add3A_28 {strides = array<i32>} : memref<400x64xf32, #tpu.memory_space<vmem>>, vector<400x64xf32>,
    %get3A_31 = arith.constant 0 : index
    %get3A_32 = arith.constant 0 : index
    %get3A_33 = vector.load %arg5[%get3A_31, %get3A_32] : memref<128x64xf32, #tpu.memory_space<vmem>>, vector<128x64xf32>
    %dot_general3A_34 = arith.constant dense<0.000000e+00> : vector<400x64xf32>
    %dot_general3A_35 = tpu.matmul %mul3A_19, %get3A_33, %dot_general3A_34 {dimension_numbers = #tpu.dot_dimension_numbers<[1], [0], [0], [1], [0, 0, 1, 1], [], []>, transpose_lhs_hint = false} : vector<400x128xf32>, vector<128x64xf32>, vector<400x64xf32> -> vector<400x64xf32>
    %get3A_36 = arith.constant 0 : index
    %get3A_37 = arith.constant 0 : index
    %get3A_38 = vector.load %arg6[%get3A_36, %get3A_37] : memref<1x64xf32, #tpu.memory_space<vmem>>, vector<1x64xf32>
    %add3A_39 = vector.broadcast %get3A_38 : vector<1x64xf32> to vector<400x64xf32>
    %add3A_40 = arith.addf %dot_general3A_35, %add3A_39 : vector<400x64xf32>
    %swap3A_41 = arith.constant 0 : index
    %swap3A_42 = arith.constant 0 : index
    %swap3A_43 = vector.load %arg8[%swap3A_41, %swap3A_42] : memref<400x64xf32, #tpu.memory_space<vmem>>, vector<400x64xf32>
    tpu.vector_store %arg8[%swap3A_41, %swap3A_42], %add3A_40 {strides = array<i32>} : memref<400x64xf32, #tpu.memory_space<vmem>>, vector<400x64xf32>,
    return
  }
  func.func @transform_0(%arg0: i32) -> (i32, i32, i32) {
    %c0_i32 = arith.constant 0 : i32
    %c0_i32_0 = arith.constant 0 : i32
    %c0_i32_1 = arith.constant 0 : i32
    return %c0_i32, %arg0, %c0_i32_0 : i32, i32, i32
  }
  func.func @transform_1(%arg0: i32) -> (i32, i32, i32) {
    %c0_i32 = arith.constant 0 : i32
    %c0_i32_0 = arith.constant 0 : i32
    %c0_i32_1 = arith.constant 0 : i32
    return %c0_i32, %arg0, %c0_i32_0 : i32, i32, i32
  }
  func.func @transform_2(%arg0: i32) -> (i32, i32) {
    %c0_i32 = arith.constant 0 : i32
    %c0_i32_0 = arith.constant 0 : i32
    %c0_i32_1 = arith.constant 0 : i32
    return %c0_i32, %c0_i32_0 : i32, i32
  }
  func.func @transform_3(%arg0: i32) -> (i32, i32) {
    %c0_i32 = arith.constant 0 : i32
    %c0_i32_0 = arith.constant 0 : i32
    %c0_i32_1 = arith.constant 0 : i32
    return %c0_i32, %c0_i32_0 : i32, i32
  }
  func.func @transform_4(%arg0: i32) -> (i32, i32) {
    %c0_i32 = arith.constant 0 : i32
    %c0_i32_0 = arith.constant 0 : i32
    %c0_i32_1 = arith.constant 0 : i32
    return %c0_i32, %c0_i32_0 : i32, i32
  }
  func.func @transform_5(%arg0: i32) -> (i32, i32) {
    %c0_i32 = arith.constant 0 : i32
    %c0_i32_0 = arith.constant 0 : i32
    %c0_i32_1 = arith.constant 0 : i32
    return %c0_i32, %c0_i32_0 : i32, i32
  }
  func.func @transform_6(%arg0: i32) -> (i32, i32) {
    %c0_i32 = arith.constant 0 : i32
    %c0_i32_0 = arith.constant 0 : i32
    return %arg0, %c0_i32 : i32, i32
  }
  func.func @transform_7(%arg0: i32) -> (i32, i32) {
    %c0_i32 = arith.constant 0 : i32
    %c0_i32_0 = arith.constant 0 : i32
    return %arg0, %c0_i32 : i32, i32
  }
}

</mosaic_0001>

<sc_bundles>
// kernel: kernel.11.cloned.1.call-start
scs
__scs_entry_jumppad:
0x0: {  	(pc) =	sbr.rel $0x88, $3  }
0x1: {  	(tag) =	ssettag $0x0;
	lr =	simm.s32 $0x1  }
0x2: {  	[smem:$0x3F99] =	sst lr;
	_ =	strace $0xD0000000  }
0x3: {  	_ = 	snop  }
0x4: {  	_ = 	snop  }
0x5: {  	_ = 	snop  }
0x6: {  	_ = 	snop  }
0x7: {  	_ = 	snop  }
__scs_overlays_trampoline_lowered:
0x8: {  	[smem:$0x3FA8] =	sst s0  }
0x9: {  	[smem:$0x3FA9] =	sst s1  }
0xa: {  	[smem:$0x3FAA] =	sst s2  }
0xb: {  	[smem:$0x3FAB] =	sst s3  }
0xc: {  	[smem:$0x3FAC] =	sst s4  }
0xd: {  	[smem:$0x3FAD] =	sst s5  }
0xe: {  	[smem:$0x3FAE] =	sst s6  }
0xf: {  	[smem:$0x3FAF] =	sst s7  }
0x10: {  	[smem:$0x3FB0] =	sst s8  }
0x11: {  	[smem:$0x3FB1] =	sst s9;
	s0 =	simm.s32 @!p0 $0x0  }
0x12: {  	s1 =	sld [smem:$0x3F97];
	s0 =	simm.s32 @p0 $0x1  }
0x13: {  	[smem:$0x3FB2] =	sst s0;
	s0 =	simm.s32 @!p1 $0x0  }
0x14: {  	s2 =	sld [smem:$0x3F96];
	s0 =	simm.s32 @p1 $0x1  }
0x15: {  	[smem:$0x3FB3] =	sst s0;
	s0 =	simm.s32 @!p2 $0x0  }
0x16: {  	s3 =	sld [smem:$0x3FDB];
	s0 =	simm.s32 @p2 $0x1  }
0x17: {  	s4 =	simm.s32 $0x1BF5;
	[smem:$0x3FB5] =	sst s0  }
0x18: {  	s0 =	sld [smem:$0x3F98];
	_ =	swait.ge [sflag:s4], $0x0  }
0x19: {  	s7 =	sld [smem:$0x3F99]  }
0x1a: {  	s8 =	sadd.s32 $0xFFFFE003, lr  }
0x1b: {  	s9 =	sadd.s32 $0xFFFFFEF7, lr;
	s5 =	simm.s32 $0xFFFFFFFF;
	p2 =	slt.u32 s8, $0xFFFFF086  }
0x1c: {  	p1 =	slt.u32 s9, $0xF7A;
	s5 =	simm.s32 @!p2 $0x0  }
0x1d: {  	s5 =	simm.s32 @p1 $0x1;
	p0 =	seq.s32 s7, s2  }
0x1e: {  	s7 =	smul.u32 @!p0 $0xF7A, s2;
	p2 =	seq.s32 @!p0 s5, $0x0  }
0x1f: {  	s9 =	smul.u32 $0xF7A, s1;
	s8 =	simm.s32 @!p0 $0x1BF5;
	p2 =	por !p2, p0  }
0x20: {  	[sflag:s8] =	ssyncset.s32 @!p0 $0xFFFFF086;
	s6 =	sadd.s32 @!p0 s3, s7;
	s7 =	simm.s32 @!p0 $0x108  }
0x21: {  	s3 =	sadd.s32 s3, s9;
	s6 =	sadd.s32 @!p0 $0x88, s6;
	s7 =	simm.s32 @p2 $0x1082  }
0x22: {  	[simem:s7], [sflag:s8] =	dma.local @!p0 [hbm:s6], $0xF7A  }
0x23: {  	s9 =	sor.u32 $0xD0000000, s2;
	s6 =	simm.s32 $0x108;
	_ =	swait.ge @!p0 [sflag:s8], $0x0  }
0x24: {  	s3 =	sadd.s32 $0x88, s3;
	s6 =	simm.s32 @!p1 $0x1082;
	[sflag:s4] =	ssyncset.s32 $0xFFFFF086  }
0x25: {  	[simem:s6], [sflag:s4] =	dma.local [hbm:s3], $0xF7A  }
0x26: {  	[smem:$0x3F99] =	sst s1;
	(tag) =	ssettag s2;
	_ =	strace s9  }
0x27: {  	s1 =	sld [smem:$0x3FA9]  }
0x28: {  	s2 =	sld [smem:$0x3FAA]  }
0x29: {  	s4 =	sld [smem:$0x3FAC]  }
0x2a: {  	p0 =	seq.s32 s5, $0x0;
	s5 =	sld [smem:$0x3FAD]  }
0x2b: {  	s6 =	sld [smem:$0x3FAE]  }
0x2c: {  	s7 =	sld [smem:$0x3FAF]  }
0x2d: {  	s3 =	simm.s32 $0x108;
	s8 =	sld [smem:$0x3FB0]  }
0x2e: {  	s3 =	simm.s32 @!p0 $0x1082;
	s9 =	sld [smem:$0x3FB1]  }
0x2f: {  	lr =	sadd.s32 s0, s3;
	s0 =	sld [smem:$0x3FA8]  }
0x30: {  	s3 =	sld [smem:$0x3FAB]  }
0x31: {  	[smem:$0x3FB4] =	sst s10  }
0x32: {  	s10 =	sld [smem:$0x3FB2];
	_ =	sdelay $0x3  }
0x33: {  	p0 =	seq.s32 s10, $0x1;
	s10 =	sld [smem:$0x3FB4];
	_ =	sdelay $0x3  }
0x34: {  	[smem:$0x3FB4] =	sst s10  }
0x35: {  	s10 =	sld [smem:$0x3FB3];
	_ =	sdelay $0x3  }
0x36: {  	p1 =	seq.s32 s10, $0x1;
	s10 =	sld [smem:$0x3FB4];
	_ =	sdelay $0x3  }
0x37: {  	[smem:$0x3FB4] =	sst s10  }
0x38: {  	s10 =	sld [smem:$0x3FB5]  }
0x39: {  	_ = 	snop;
	(pc) =	sbr.ind lr, $3  }
0x3a: {  	_ = 	snop  }
0x3b: {  	_ = 	snop  }
0x3c: {  	p2 =	seq.s32 s10, $0x1;
	s10 =	sld [smem:$0x3FB4]  }
0x3d: {  	_ =	shalt  }
0x3e: {  	_ =	shalt  }
0x3f: {  	_ =	shalt  }
0x40: {  	_ =	shalt  }
0x41: {  	_ =	shalt  }
0x42: {  	_ =	shalt  }
0x43: {  	_ =	shalt  }
0x44: {  	_ =	shalt  }
0x45: {  	_ =	shalt  }
0x46: {  	_ =	shalt  }
0x47: {  	_ =	shalt  }
0x48: {  	_ =	shalt  }
0x49: {  	_ =	shalt  }
0x4a: {  	_ =	shalt  }
0x4b: {  	_ =	shalt  }
0x4c: {  	_ =	shalt  }
0x4d: {  	_ =	shalt  }
0x4e: {  	_ =	shalt  }
0x4f: {  	_ =	shalt  }
0x50: {  	_ =	shalt  }
0x51: {  	_ =	shalt  }
0x52: {  	_ =	shalt  }
0x53: {  	_ =	shalt  }
0x54: {  	_ =	shalt  }
0x55: {  	_ =	shalt  }
0x56: {  	_ =	shalt  }
0x57: {  	_ =	shalt  }
0x58: {  	_ =	shalt  }
0x59: {  	_ =	shalt  }
0x5a: {  	_ =	shalt  }
0x5b: {  	_ =	shalt  }
0x5c: {  	_ =	shalt  }
0x5d: {  	_ =	shalt  }
0x5e: {  	_ =	shalt  }
0x5f: {  	_ =	shalt  }
0x60: {  	_ =	shalt  }
0x61: {  	_ =	shalt  }
0x62: {  	_ =	shalt  }
0x63: {  	_ =	shalt  }
0x64: {  	_ =	shalt  }
0x65: {  	_ =	shalt  }
0x66: {  	_ =	shalt  }
0x67: {  	_ =	shalt  }
0x68: {  	_ =	shalt  }
0x69: {  	_ =	shalt  }
0x6a: {  	_ =	shalt  }
0x6b: {  	_ =	shalt  }
0x6c: {  	_ =	shalt  }
0x6d: {  	_ =	shalt  }
0x6e: {  	_ =	shalt  }
0x6f: {  	_ =	shalt  }
0x70: {  	_ =	shalt  }
0x71: {  	_ =	shalt  }
0x72: {  	_ =	shalt  }
0x73: {  	_ =	shalt  }
0x74: {  	_ =	shalt  }
0x75: {  	_ =	shalt  }
0x76: {  	_ =	shalt  }
0x77: {  	_ =	shalt  }
0x78: {  	_ =	shalt  }
0x79: {  	_ =	shalt  }
0x7a: {  	_ =	shalt  }
0x7b: {  	_ =	shalt  }
0x7c: {  	_ =	shalt  }
0x7d: {  	_ =	shalt  }
0x7e: {  	_ =	shalt  }
0x7f: {  	_ =	shalt  }
0x80: {  	_ =	shalt  }
0x81: {  	_ =	shalt  }
0x82: {  	_ =	shalt  }
0x83: {  	_ =	shalt  }
0x84: {  	_ =	shalt  }
0x85: {  	_ =	shalt  }
0x86: {  	_ =	shalt  }
0x87: {  	_ =	shalt  }
.Lfunc_end0:
.L_simem_size_0:
called_computation.1_lowered:
.L_overlay_start_0:
0x88: {  	s2 =	sld [smem:$0x3FD9]  }
0x89: {  	s3 =	sld [smem:$0x3FFE];
	_ =	sdelay $0x1  }
0x8a: {  	s1 =	srdreg.scid  }
0x8b: {  	s0 =	sand.u32 $0x1, s1  }
0x8c: {  	s14 =	sshll.u32 s0, $0xA;
	s2 =	sadd.s32 s3, s2  }
0x8d: {  	s2 =	sadd.s32 s2, s14  }
0x8e: {  	[smem:$0x3FC0] =	sst s2  }
0x8f: {  	_ = 	snop  }
0x90: {  	s2 =	sld [smem:$0x3FD0];
	_ =	sdelay $0x2  }
0x91: {  	s15 =	simm.s32 $0xA;
	s4 =	simm.s32 $0x10  }
0x92: {  	[smem:s4], [sflag:s15] =	dma.local [hbm:s2], $0x1  }
0x93: {  	_ =	swait.eq [sflag:s15], $0x1  }
0x94: {  	[sflag:s15] =	ssyncset.done $0x0  }
0x95: {  	s16 =	sld [smem:$0x10];
	[sflag:s15] =	ssyncadd.s32 $0xFFFFFFFF  }
0x96: {  	s17 =	sld [smem:$0x11];
	(tm) =	ssettm $0x1  }
0x97: {  	s18 =	sld [smem:$0x3FFB];
	_ =	sdelay $0x3  }
0x98: {  	_ =	strace s18  }
0x99: {  	s4 =	sld [smem:$0x3FFC];
	_ =	sdelay $0x3  }
0x9a: {  	_ =	strace s4  }
0x9b: {  	s4 =	sld [smem:$0x3FFD];
	_ =	sdelay $0x3  }
0x9c: {  	_ =	strace s4  }
0x9d: {  	_ =	strace $0x8FFFFFFF  }
0x9e: {  	s19 =	sld [smem:$0x3FDB];
	_ =	sdelay $0x1  }
0x9f: {  	s5 =	simm.s32 $_scs_section_size  }
0xa0: {  	s6 =	simm.s32 $_size__tile_overlayer_lowered;
	s7 =	simm.s32 $_tile_overlayer_lowered  }
0xa1: {  	s22 =	simm.s32 $0x1BFF;
	s21 =	sshll.u32 s7, $0x1;
	s4 =	sadd.s32 s5, s19  }
0xa2: {  	s8 =	simm.s32 $0x0;
	s20 =	sshll.u32 s6, $0x1;
	s6 =	sadd.s32 s21, s4  }
0xa3: {  	[timem:s8], [sflag:s22] =	dma.local [hbm:s6], s20  }
0xa4: {  	_ =	swait.ge [sflag:s22], s20  }
0xa5: {  	s5 =	ssub.s32 $0x0, s20;
	[sflag:s22] =	ssyncset.done $0x0  }
0xa6: {  	[sflag:s22] =	ssyncadd.s32 s5;
	_ =	sdelay $0x1  }
0xa7: {  	s23 =	simm.s32 $0x1B8B  }
0xa8: {  	_ =	swait.ge [sflag:s23], $0x1  }
0xa9: {  	[sflag:s23] =	ssyncset.done $0x0  }
0xaa: {  	s25 =	simm.s32 $0x1B8E;
	s24 =	sld [smem:$0x3FFE];
	[sflag:s23] =	ssyncadd.s32 $0xFFFFFFFF  }
0xab: {  	s26 =	simm.s32 $execute0_lowered;
	[smem:$0x3FD2] =	sst s25  }
0xac: {  	s6 =	sshll.u32 s26, $0x1;
	_ =	strace $0x80000049;
	[dreg:$0x1] =	wrdreg $0xFFFFFFFF  }
0xad: {  	s28 =	simm.s32 $_size_execute0_lowered;
	s4 =	sadd.s32 s4, s6;
	[dreg:$0x0] =	wrdreg $0x0  }
0xae: {  	s6 =	sshll.u32 s28, $0x1;
	[dreg:$0x2] =	wrdreg s4  }
0xaf: {  	[dreg:$0x3] =	wrdreg s6  }
0xb0: {  	[dreg:$0x4] =	wrdreg $0xC0  }
0xb1: {  	_ =	task [dreg:s8], $0x5FFFF  }
0xb2: {  	[dreg:$0x1] =	wrdreg $0xFFFFFFFF  }
0xb3: {  	[dreg:$0x0] =	wrdreg $0x60  }
0xb4: {  	[dreg:$0x2] =	wrdreg s24  }
0xb5: {  	[dreg:$0x3] =	wrdreg s16  }
0xb6: {  	[dreg:$0x4] =	wrdreg s17  }
0xb7: {  	[dreg:$0x5] =	wrdreg $0x98000  }
0xb8: {  	[dreg:$0x6] =	wrdreg $0x9  }
0xb9: {  	_ =	task.clear_ibuf [dreg:s8], $0x7FFFF;
	_ =	strace $0x90000049  }
0xba: {  	s29 =	simm.s32 $0x9;
	_ =	strace $0x8000004B  }
0xbb: {  	_ =	swait.ge [sflag:s29], $0x1  }
0xbc: {  	[sflag:s29] =	ssyncadd.s32 $0xFFFFFFFF  }
0xbd: {  	_ =	strace $0x9000004B  }
0xbe: {  	_ =	sfence  }
0xbf: {  	s30 =	sld [smem:$0x0];
	_ =	sdelay $0x2  }
0xc0: {  	s31 =	sshll.u32 s1, $0xD;
	s1 =	sshrl.u32 s1, $0x2  }
0xc1: {  	s3 =	sand.u32 $0x4000, s31;
	s1 =	sadd.s32 s1, s30  }
0xc2: {  	s0 =	sor.u32 s3, s0;
	s1 =	sshll.u32 s1, $0x11  }
0xc3: {  	s0 =	sor.u32 s1, s0  }
0xc4: {  	s0 =	sadd.s32 $0x8F2B, s0  }
0xc5: {  	[sflag:s0] =	ssyncadd.remote.s32 $0x1  }
0xc6: {  	_ =	sfence.sel $0xFFFF  }
0xc7: {  	[dreg:$0x0] =	wrdreg $0xFFFFFFFF;
	(pc) =	sbr.abs _section_cstart, $3  }
0xc8: {  	[dreg:$0x1] =	wrdreg $0xFFFFFFFF  }
0xc9: {  	_ =	task.clear_ibuf [dreg:s8], $0x2FFFF;
	_ =	strace $0x9FFFFFFF  }
0xca: {  	(tm) =	ssettm $0x7FFFFFFF  }
0xcb: {  	_ =	shalt  }
tec
execute0_lowered:
.L_overlay_start_1:
0x0: {  	(tag) =	ssettag $0x1  }
0x1: {  	s5 =	rddreg [dreg:$0x0]  }
0x2: {  	s6 =	rddreg [dreg:$0x1]  }
0x3: {  	s7 =	rddreg [dreg:$0x2]  }
0x4: {  	s1 =	rddreg [dreg:$0x3]  }
0x5: {  	s2 =	srdreg.scid;
	s0 =	rddreg [dreg:$0x4]  }
0x6: {  	s3 =	simm.s32 $0x0;
	s14 =	simm.s32 $0x5800;
	s15 =	simm.s32 $0x2  }
0x7: {  	s16 =	simm.s32 $0x2C00;
	s17 =	simm.s32 $0x80;
	s8 =	sand.u32 $0x1, s2  }
0x8: {  	s18 =	simm.s32 $0x1;
	s2 =	stileid.u32;
	s9 =	smul.u32 $0x140000, s8  }
0x9: {  	[smem:$0x7FF] =	sst s3;
	s4 =	sadd.s32 $0x52400, s5;
	s10 =	smul.u32 $0x14000, s2  }
0xa: {  	_ =	strace $0x8000004A;
	s11 =	sshll.u32 s8, $0x4;
	s30 =	smul.u32 $0x50000, s2  }
0xb: {  	s8 =	ssub.s32 $0x2, s8;
	s19 =	sshll.u32 s2, $0x6;
	s11 =	sor.u32 s2, s11  }
0xc: {  	s31 =	sshrl.u32 s8, $0x1;
	s19 =	sor.u32 $0x1C02, s19;
	s9 =	sadd.s32 s10, s9  }
0xd: {  	s11 =	smul.u32 $0x580, s11;
	s10 =	sshrl.u32 s30, $0x2;
	s9 =	sshrl.u32 s9, $0x3  }
0xe: {  	s12 =	ssub.s32 s8, s31;
	s9 =	sadd.s32 s9, s5;
	s5 =	sadd.s32 s10, s1  }
0xf: {  	s6 =	sadd.s32 s6, s11;
	s7 =	sadd.s32 s7, s11;
	s8 =	sadd.s32 $0x7A400, s9  }
0x10: {  	s9 =	smax.u32 s12, $0x1;
	s10 =	sadd.s32 $0x4000, s5;
	s11 =	sadd.s32 $0x8000, s5  }
0x11: {  	v0 =	vimm.f32 $0.0e+00;
	s12 =	sadd.s32 $0xC000, s5;
	s13 =	sadd.s32 $0x10000, s5;
	s20 =	sshrl.u32 s5, $0x3  }
.LBB2_1:
0x12: {  	s21 =	simm.s32 $0x0;
	s22 =	simm.s32 $0x200  }
.LBB2_2:
0x13: {  	p0 =	sne.s32 s22, $0xFE00;
	[tilespmem:s21+$0x5870] =	vst v0  }
0x14: {  	[tilespmem:s21+$0x5800] =	vst v0  }
0x15: {  	[tilespmem:s21+$0x5810] =	vst v0  }
.Ltmp0:
0x16: {  	[tilespmem:s21+$0x5820] =	vst v0;
	(pc) =	sbr.rel @p0 .LBB2_2-.Ltmp0, $4  }
0x17: {  	[tilespmem:s21+$0x5830] =	vst v0  }
0x18: {  	[tilespmem:s21+$0x5840] =	vst v0  }
0x19: {  	[tilespmem:s21+$0x5850] =	vst v0  }
0x1a: {  	[tilespmem:s21+$0x5860] =	vst v0;
	s21 =	sshra.s32 s22, $0x2;
	s22 =	sadd.s32 $0x200, s22  }
0x1b: {  	[tilespmem:s21+$0x5870] =	vst v0  }
0x1c: {  	[tilespmem:s21+$0x5800] =	vst v0  }
0x1d: {  	[tilespmem:s21+$0x5810] =	vst v0  }
0x1e: {  	[tilespmem:s21+$0x5820] =	vst v0  }
0x1f: {  	[tilespmem:s21+$0x5830] =	vst v0  }
0x20: {  	[tilespmem:s21+$0x5840] =	vst v0  }
0x21: {  	[tilespmem:s21+$0x5850] =	vst v0  }
0x22: {  	[tilespmem:s21+$0x5860] =	vst v0  }
0x23: {  	[spmem:s5] =	stream.linear.scatter [tilespmem:s14], [sflag:$0x2], $0x4000, $0x38;
	[tilespmem:$0x1D800] =	vst v63  }
0x24: {  	_ =	swait.ge [sflag:s15], $0x4000  }
0x25: {  	[sflag:s15] =	ssyncset.done $0x0  }
0x26: {  	[sflag:s15] =	ssyncadd.s32 $0xFFFFC000  }
0x27: {  	[spmem:s10] =	stream.linear.scatter [tilespmem:s14], [sflag:$0x2], $0x4000, $0x38;
	[tilespmem:$0x1D800] =	vst v63  }
0x28: {  	_ =	swait.ge [sflag:s15], $0x4000  }
0x29: {  	[sflag:s15] =	ssyncset.done $0x0  }
0x2a: {  	[sflag:s15] =	ssyncadd.s32 $0xFFFFC000  }
0x2b: {  	[spmem:s11] =	stream.linear.scatter [tilespmem:s14], [sflag:$0x2], $0x4000, $0x38;
	[tilespmem:$0x1D800] =	vst v63  }
0x2c: {  	_ =	swait.ge [sflag:s15], $0x4000  }
0x2d: {  	[sflag:s15] =	ssyncset.done $0x0  }
0x2e: {  	[sflag:s15] =	ssyncadd.s32 $0xFFFFC000  }
0x2f: {  	[spmem:s12] =	stream.linear.scatter [tilespmem:s14], [sflag:$0x2], $0x4000, $0x38;
	[tilespmem:$0x1D800] =	vst v63  }
0x30: {  	_ =	swait.ge [sflag:s15], $0x4000  }
0x31: {  	[sflag:s15] =	ssyncset.done $0x0  }
0x32: {  	[sflag:s15] =	ssyncadd.s32 $0xFFFFC000  }
0x33: {  	[spmem:s13] =	stream.linear.scatter [tilespmem:s14], [sflag:$0x2], $0x4000, $0x38;
	[tilespmem:$0x1D800] =	vst v63  }
0x34: {  	_ =	swait.ge [sflag:s15], $0x4000  }
0x35: {  	[sflag:s15] =	ssyncset.done $0x0  }
0x36: {  	s29 =	simm.s32 $0x0;
	[sflag:s15] =	ssyncadd.s32 $0xFFFFC000  }
0x37: {  	[tilespmem:s29], [sflag:$0x2] =	stream.linear.gather [hbm4b:s6+s29], $0x2880, $0x38;
	[tilespmem:$0x1D800] =	vst v63  }
0x38: {  	_ =	swait.ge [sflag:s15], $0x2880  }
0x39: {  	[sflag:s15] =	ssyncset.done $0x0  }
0x3a: {  	[sflag:s15] =	ssyncadd.s32 $0xFFFFD780  }
0x3b: {  	[tilespmem:s16], [sflag:$0x2] =	stream.linear.gather [hbm4b:s7+s29], $0x2880, $0x38;
	[tilespmem:$0x1D800] =	vst v63  }
0x3c: {  	_ =	swait.ge [sflag:s15], $0x2880  }
0x3d: {  	[sflag:s15] =	ssyncset.done $0x0  }
0x3e: {  	[sflag:s15] =	ssyncadd.s32 $0xFFFFD780  }
0x3f: {  	s30 =	simm.s32 $0x0;
	[bflag:$0x0] =	sbarrier.arrive $0xFFFF  }
0x40: {  	[tilespmem:s14], [sflag:$0x1] =	stream.indirect.gather [hbm4b:s4+s17], $0x80, s30, s17, $0xb8;
	[tilespmem:$0x1D800] =	vst v63  }
0x41: {  	_ =	swait.ge [sflag:s18], $0x4000  }
0x42: {  	[sflag:s18] =	ssyncset.done $0x0  }
0x43: {  	s31 =	simm.s32 $0x2C00;
	[sflag:s18] =	ssyncadd.s32 $0xFFFFC000  }
0x44: {  	[spmem:s1] =	stream.indirect.scatter.add.f32 [tilespmem:s14], [sflag:$0x2], $0x80, s31, s17, $0xb8;
	[tilespmem:$0x1D800] =	vst v63  }
0x45: {  	_ =	swait.ge [sflag:s15], $0x4000  }
0x46: {  	s21 =	simm.s32 $0x200;
	s22 =	simm.s32 $0x400;
	[sflag:s15] =	ssyncset.done $0x0  }
.LBB2_4:
0x47: {  	s23 =	sshra.s32 s21, $0x2  }
0x48: {  	[sflag:s15] =	ssyncadd.s32 $0xFFFFC000;
	s21 =	smov.u32 s22;
	s24 =	sadd.s32 $0x200, s22  }
0x49: {  	[tilespmem:s14], [sflag:$0x1] =	stream.indirect.gather [hbm4b:s4+s17], $0x80, s23, s17, $0xb8;
	[tilespmem:$0x1D800] =	vst v63  }
0x4a: {  	p0 =	sne.s32 s22, $0xA000;
	_ =	swait.ge [sflag:s18], $0x4000  }
.Ltmp1:
0x4b: {  	[sflag:s18] =	ssyncset.done $0x0;
	(pc) =	sbr.rel @p0 .LBB2_4-.Ltmp1, $4  }
0x4c: {  	s22 =	sadd.s32 $0x2C00, s23;
	[sflag:s18] =	ssyncadd.s32 $0xFFFFC000  }
0x4d: {  	[spmem:s1] =	stream.indirect.scatter.add.f32 [tilespmem:s14], [sflag:$0x2], $0x80, s22, s17, $0xb8;
	[tilespmem:$0x1D800] =	vst v63  }
0x4e: {  	_ =	swait.ge [sflag:s15], $0x4000  }
0x4f: {  	s22 =	smov.u32 s24;
	[sflag:s15] =	ssyncset.done $0x0  }
0x50: {  	s21 =	sshra.s32 s21, $0x2;
	[sflag:s15] =	ssyncadd.s32 $0xFFFFC000  }
0x51: {  	[tilespmem:s14], [sflag:$0x1] =	stream.indirect.gather [hbm4b:s4+s17], $0x80, s21, s17, $0xb8;
	[tilespmem:$0x1D800] =	vst v63  }
0x52: {  	_ =	swait.ge [sflag:s18], $0x4000  }
0x53: {  	[sflag:s18] =	ssyncset.done $0x0  }
0x54: {  	s21 =	sadd.s32 $0x2C00, s21;
	[sflag:s18] =	ssyncadd.s32 $0xFFFFC000  }
0x55: {  	[spmem:s1] =	stream.indirect.scatter.add.f32 [tilespmem:s14], [sflag:$0x2], $0x80, s21, s17, $0xb8;
	[tilespmem:$0x1D800] =	vst v63  }
0x56: {  	_ =	swait.ge [sflag:s15], $0x4000  }
0x57: {  	s3 =	sadd.s32 $0x1, s3;
	[sflag:s15] =	ssyncset.done $0x0  }
0x58: {  	p0 =	sne.s32 s3, s9;
	[sflag:s15] =	ssyncadd.s32 $0xFFFFC000  }
.Ltmp2:
0x59: {  	[bflag:$0x0] =	sbarrier.arrive $0xFFFF;
	(pc) =	sbr.rel @p0 .LBB2_1-.Ltmp2, $4  }
0x5a: {  	[hbm:s8], [sflag:s19] =	dma.local [spmem:s20], $0x2800  }
0x5b: {  	_ =	swait.ge [sflag:s15], $0x2800  }
0x5c: {  	[sflag:s15] =	ssyncset.done $0x0  }
0x5d: {  	[sflag:s15] =	ssyncadd.s32 $0xFFFFD800  }
0x5e: {  	_ =	sfence.sel $0x180000  }
0x5f: {  	[bflag:$0x0] =	sbarrier.arrive $0xFFFF  }
0x60: {  	p0 =	sne.s32 s2, $0x0;
	_ =	strace $0x9000004A  }
0x61: {  	s0 =	sadd.s32 @!p0 $0x100000, s0;
	[bflag:$0x2] =	sbarrier.arrive $0xFFFF  }
0x62: {  	[sflag:s0] =	ssyncadd.tile.s32 @!p0 $0x1;
	_ =	shalt  }
.Lfunc_end2:
_tile_overlayer_lowered:
.L_overlay_start_2:
0x63: {  	(tag) =	ssettag $0x2  }
0x64: {  	s0 =	rddreg [dreg:$0x0];
	s2 =	stileid.u32  }
0x65: {  	s1 =	rddreg [dreg:$0x1];
	p0 =	sne.s32 s2, $0x0  }
0x66: {  	s3 =	rddreg [dreg:$0x2];
	[bflag:$0x3] =	sbarrier.arrive $0xFFFF;
	s2 =	simm.s32 @!p0 $0x1C02  }
0x67: {  	[timem:s3], [sflag:s2] =	dma.local @!p0 [hbm:s0], s1  }
0x68: {  	s0 =	simm.s32 @!p0 $0x2  }
0x69: {  	_ =	swait.ge @!p0 [sflag:s0], s1  }
0x6a: {  	s1 =	ssub.s32 @!p0 $0x0, s1;
	[sflag:s0] =	ssyncset.done @!p0 $0x0  }
0x6b: {  	[sflag:s0] =	ssyncadd.s32 @!p0 s1  }
0x6c: {  	[bflag:$0x3] =	sbarrier.arrive $0xFFFF  }
0x6d: {  	_ =	shalt  }

// kernel: kernel.14.cloned.1.call-start
scs
__scs_entry_jumppad:
0x0: {  	(pc) =	sbr.rel $0x88, $3  }
0x1: {  	(tag) =	ssettag $0x0;
	lr =	simm.s32 $0x1  }
0x2: {  	[smem:$0x3F99] =	sst lr;
	_ =	strace $0xD0000000  }
0x3: {  	_ = 	snop  }
0x4: {  	_ = 	snop  }
0x5: {  	_ = 	snop  }
0x6: {  	_ = 	snop  }
0x7: {  	_ = 	snop  }
__scs_overlays_trampoline_lowered:
0x8: {  	[smem:$0x3FA8] =	sst s0  }
0x9: {  	[smem:$0x3FA9] =	sst s1  }
0xa: {  	[smem:$0x3FAA] =	sst s2  }
0xb: {  	[smem:$0x3FAB] =	sst s3  }
0xc: {  	[smem:$0x3FAC] =	sst s4  }
0xd: {  	[smem:$0x3FAD] =	sst s5  }
0xe: {  	[smem:$0x3FAE] =	sst s6  }
0xf: {  	[smem:$0x3FAF] =	sst s7  }
0x10: {  	[smem:$0x3FB0] =	sst s8  }
0x11: {  	[smem:$0x3FB1] =	sst s9;
	s0 =	simm.s32 @!p0 $0x0  }
0x12: {  	s1 =	sld [smem:$0x3F97];
	s0 =	simm.s32 @p0 $0x1  }
0x13: {  	[smem:$0x3FB2] =	sst s0;
	s0 =	simm.s32 @!p1 $0x0  }
0x14: {  	s2 =	sld [smem:$0x3F96];
	s0 =	simm.s32 @p1 $0x1  }
0x15: {  	[smem:$0x3FB3] =	sst s0;
	s0 =	simm.s32 @!p2 $0x0  }
0x16: {  	s3 =	sld [smem:$0x3FDB];
	s0 =	simm.s32 @p2 $0x1  }
0x17: {  	s4 =	simm.s32 $0x1BF5;
	[smem:$0x3FB5] =	sst s0  }
0x18: {  	s0 =	sld [smem:$0x3F98];
	_ =	swait.ge [sflag:s4], $0x0  }
0x19: {  	s7 =	sld [smem:$0x3F99]  }
0x1a: {  	s8 =	sadd.s32 $0xFFFFE003, lr  }
0x1b: {  	s9 =	sadd.s32 $0xFFFFFEF7, lr;
	s5 =	simm.s32 $0xFFFFFFFF;
	p2 =	slt.u32 s8, $0xFFFFF086  }
0x1c: {  	p1 =	slt.u32 s9, $0xF7A;
	s5 =	simm.s32 @!p2 $0x0  }
0x1d: {  	s5 =	simm.s32 @p1 $0x1;
	p0 =	seq.s32 s7, s2  }
0x1e: {  	s7 =	smul.u32 @!p0 $0xF7A, s2;
	p2 =	seq.s32 @!p0 s5, $0x0  }
0x1f: {  	s9 =	smul.u32 $0xF7A, s1;
	s8 =	simm.s32 @!p0 $0x1BF5;
	p2 =	por !p2, p0  }
0x20: {  	[sflag:s8] =	ssyncset.s32 @!p0 $0xFFFFF086;
	s6 =	sadd.s32 @!p0 s3, s7;
	s7 =	simm.s32 @!p0 $0x108  }
0x21: {  	s3 =	sadd.s32 s3, s9;
	s6 =	sadd.s32 @!p0 $0x88, s6;
	s7 =	simm.s32 @p2 $0x1082  }
0x22: {  	[simem:s7], [sflag:s8] =	dma.local @!p0 [hbm:s6], $0xF7A  }
0x23: {  	s9 =	sor.u32 $0xD0000000, s2;
	s6 =	simm.s32 $0x108;
	_ =	swait.ge @!p0 [sflag:s8], $0x0  }
0x24: {  	s3 =	sadd.s32 $0x88, s3;
	s6 =	simm.s32 @!p1 $0x1082;
	[sflag:s4] =	ssyncset.s32 $0xFFFFF086  }
0x25: {  	[simem:s6], [sflag:s4] =	dma.local [hbm:s3], $0xF7A  }
0x26: {  	[smem:$0x3F99] =	sst s1;
	(tag) =	ssettag s2;
	_ =	strace s9  }
0x27: {  	s1 =	sld [smem:$0x3FA9]  }
0x28: {  	s2 =	sld [smem:$0x3FAA]  }
0x29: {  	s4 =	sld [smem:$0x3FAC]  }
0x2a: {  	p0 =	seq.s32 s5, $0x0;
	s5 =	sld [smem:$0x3FAD]  }
0x2b: {  	s6 =	sld [smem:$0x3FAE]  }
0x2c: {  	s7 =	sld [smem:$0x3FAF]  }
0x2d: {  	s3 =	simm.s32 $0x108;
	s8 =	sld [smem:$0x3FB0]  }
0x2e: {  	s3 =	simm.s32 @!p0 $0x1082;
	s9 =	sld [smem:$0x3FB1]  }
0x2f: {  	lr =	sadd.s32 s0, s3;
	s0 =	sld [smem:$0x3FA8]  }
0x30: {  	s3 =	sld [smem:$0x3FAB]  }
0x31: {  	[smem:$0x3FB4] =	sst s10  }
0x32: {  	s10 =	sld [smem:$0x3FB2];
	_ =	sdelay $0x3  }
0x33: {  	p0 =	seq.s32 s10, $0x1;
	s10 =	sld [smem:$0x3FB4];
	_ =	sdelay $0x3  }
0x34: {  	[smem:$0x3FB4] =	sst s10  }
0x35: {  	s10 =	sld [smem:$0x3FB3];
	_ =	sdelay $0x3  }
0x36: {  	p1 =	seq.s32 s10, $0x1;
	s10 =	sld [smem:$0x3FB4];
	_ =	sdelay $0x3  }
0x37: {  	[smem:$0x3FB4] =	sst s10  }
0x38: {  	s10 =	sld [smem:$0x3FB5]  }
0x39: {  	_ = 	snop;
	(pc) =	sbr.ind lr, $3  }
0x3a: {  	_ = 	snop  }
0x3b: {  	_ = 	snop  }
0x3c: {  	p2 =	seq.s32 s10, $0x1;
	s10 =	sld [smem:$0x3FB4]  }
0x3d: {  	_ =	shalt  }
0x3e: {  	_ =	shalt  }
0x3f: {  	_ =	shalt  }
0x40: {  	_ =	shalt  }
0x41: {  	_ =	shalt  }
0x42: {  	_ =	shalt  }
0x43: {  	_ =	shalt  }
0x44: {  	_ =	shalt  }
0x45: {  	_ =	shalt  }
0x46: {  	_ =	shalt  }
0x47: {  	_ =	shalt  }
0x48: {  	_ =	shalt  }
0x49: {  	_ =	shalt  }
0x4a: {  	_ =	shalt  }
0x4b: {  	_ =	shalt  }
0x4c: {  	_ =	shalt  }
0x4d: {  	_ =	shalt  }
0x4e: {  	_ =	shalt  }
0x4f: {  	_ =	shalt  }
0x50: {  	_ =	shalt  }
0x51: {  	_ =	shalt  }
0x52: {  	_ =	shalt  }
0x53: {  	_ =	shalt  }
0x54: {  	_ =	shalt  }
0x55: {  	_ =	shalt  }
0x56: {  	_ =	shalt  }
0x57: {  	_ =	shalt  }
0x58: {  	_ =	shalt  }
0x59: {  	_ =	shalt  }
0x5a: {  	_ =	shalt  }
0x5b: {  	_ =	shalt  }
0x5c: {  	_ =	shalt  }
0x5d: {  	_ =	shalt  }
0x5e: {  	_ =	shalt  }
0x5f: {  	_ =	shalt  }
0x60: {  	_ =	shalt  }
0x61: {  	_ =	shalt  }
0x62: {  	_ =	shalt  }
0x63: {  	_ =	shalt  }
0x64: {  	_ =	shalt  }
0x65: {  	_ =	shalt  }
0x66: {  	_ =	shalt  }
0x67: {  	_ =	shalt  }
0x68: {  	_ =	shalt  }
0x69: {  	_ =	shalt  }
0x6a: {  	_ =	shalt  }
0x6b: {  	_ =	shalt  }
0x6c: {  	_ =	shalt  }
0x6d: {  	_ =	shalt  }
0x6e: {  	_ =	shalt  }
0x6f: {  	_ =	shalt  }
0x70: {  	_ =	shalt  }
0x71: {  	_ =	shalt  }
0x72: {  	_ =	shalt  }
0x73: {  	_ =	shalt  }
0x74: {  	_ =	shalt  }
0x75: {  	_ =	shalt  }
0x76: {  	_ =	shalt  }
0x77: {  	_ =	shalt  }
0x78: {  	_ =	shalt  }
0x79: {  	_ =	shalt  }
0x7a: {  	_ =	shalt  }
0x7b: {  	_ =	shalt  }
0x7c: {  	_ =	shalt  }
0x7d: {  	_ =	shalt  }
0x7e: {  	_ =	shalt  }
0x7f: {  	_ =	shalt  }
0x80: {  	_ =	shalt  }
0x81: {  	_ =	shalt  }
0x82: {  	_ =	shalt  }
0x83: {  	_ =	shalt  }
0x84: {  	_ =	shalt  }
0x85: {  	_ =	shalt  }
0x86: {  	_ =	shalt  }
0x87: {  	_ =	shalt  }
.Lfunc_end0:
.L_simem_size_0:
called_computation.2_lowered:
.L_overlay_start_0:
0x88: {  	s2 =	sld [smem:$0x3FD9]  }
0x89: {  	s3 =	sld [smem:$0x3FFE];
	_ =	sdelay $0x1  }
0x8a: {  	s1 =	srdreg.scid  }
0x8b: {  	s0 =	sand.u32 $0x1, s1  }
0x8c: {  	s14 =	sshll.u32 s0, $0xA;
	s2 =	sadd.s32 s3, s2  }
0x8d: {  	s2 =	sadd.s32 s2, s14  }
0x8e: {  	[smem:$0x3FC0] =	sst s2  }
0x8f: {  	_ = 	snop  }
0x90: {  	s2 =	sld [smem:$0x3FD0];
	_ =	sdelay $0x2  }
0x91: {  	s15 =	simm.s32 $0xA;
	s4 =	simm.s32 $0x10  }
0x92: {  	[smem:s4], [sflag:s15] =	dma.local [hbm:s2], $0x1  }
0x93: {  	_ =	swait.eq [sflag:s15], $0x1  }
0x94: {  	[sflag:s15] =	ssyncset.done $0x0  }
0x95: {  	s16 =	sld [smem:$0x10];
	[sflag:s15] =	ssyncadd.s32 $0xFFFFFFFF  }
0x96: {  	s17 =	sld [smem:$0x11];
	(tm) =	ssettm $0x1  }
0x97: {  	s18 =	sld [smem:$0x3FFB];
	_ =	sdelay $0x3  }
0x98: {  	_ =	strace s18  }
0x99: {  	s4 =	sld [smem:$0x3FFC];
	_ =	sdelay $0x3  }
0x9a: {  	_ =	strace s4  }
0x9b: {  	s4 =	sld [smem:$0x3FFD];
	_ =	sdelay $0x3  }
0x9c: {  	_ =	strace s4  }
0x9d: {  	_ =	strace $0x8FFFFFFF  }
0x9e: {  	s19 =	sld [smem:$0x3FDB];
	_ =	sdelay $0x1  }
0x9f: {  	s5 =	simm.s32 $_scs_section_size  }
0xa0: {  	s6 =	simm.s32 $_size__tile_overlayer_lowered;
	s7 =	simm.s32 $_tile_overlayer_lowered  }
0xa1: {  	s22 =	simm.s32 $0x1BFF;
	s21 =	sshll.u32 s7, $0x1;
	s4 =	sadd.s32 s5, s19  }
0xa2: {  	s8 =	simm.s32 $0x0;
	s20 =	sshll.u32 s6, $0x1;
	s6 =	sadd.s32 s21, s4  }
0xa3: {  	[timem:s8], [sflag:s22] =	dma.local [hbm:s6], s20  }
0xa4: {  	_ =	swait.ge [sflag:s22], s20  }
0xa5: {  	s5 =	ssub.s32 $0x0, s20;
	[sflag:s22] =	ssyncset.done $0x0  }
0xa6: {  	[sflag:s22] =	ssyncadd.s32 s5;
	_ =	sdelay $0x1  }
0xa7: {  	s23 =	simm.s32 $0x1B8B  }
0xa8: {  	_ =	swait.ge [sflag:s23], $0x1  }
0xa9: {  	[sflag:s23] =	ssyncset.done $0x0  }
0xaa: {  	s25 =	simm.s32 $0x1B8E;
	s24 =	sld [smem:$0x3FFE];
	[sflag:s23] =	ssyncadd.s32 $0xFFFFFFFF  }
0xab: {  	s26 =	simm.s32 $execute0_lowered;
	[smem:$0x3FD2] =	sst s25  }
0xac: {  	s6 =	sshll.u32 s26, $0x1;
	_ =	strace $0x8000004C;
	[dreg:$0x1] =	wrdreg $0xFFFFFFFF  }
0xad: {  	s28 =	simm.s32 $_size_execute0_lowered;
	s4 =	sadd.s32 s4, s6;
	[dreg:$0x0] =	wrdreg $0x0  }
0xae: {  	s6 =	sshll.u32 s28, $0x1;
	[dreg:$0x2] =	wrdreg s4  }
0xaf: {  	[dreg:$0x3] =	wrdreg s6  }
0xb0: {  	[dreg:$0x4] =	wrdreg $0xC0  }
0xb1: {  	_ =	task [dreg:s8], $0x5FFFF  }
0xb2: {  	[dreg:$0x1] =	wrdreg $0xFFFFFFFF  }
0xb3: {  	[dreg:$0x0] =	wrdreg $0x60  }
0xb4: {  	[dreg:$0x2] =	wrdreg s24  }
0xb5: {  	[dreg:$0x3] =	wrdreg s16  }
0xb6: {  	[dreg:$0x4] =	wrdreg s17  }
0xb7: {  	[dreg:$0x5] =	wrdreg $0x98000  }
0xb8: {  	[dreg:$0x6] =	wrdreg $0x9  }
0xb9: {  	_ =	task.clear_ibuf [dreg:s8], $0x7FFFF;
	_ =	strace $0x9000004C  }
0xba: {  	s29 =	simm.s32 $0x9;
	_ =	strace $0x8000004E  }
0xbb: {  	_ =	swait.ge [sflag:s29], $0x1  }
0xbc: {  	[sflag:s29] =	ssyncadd.s32 $0xFFFFFFFF  }
0xbd: {  	_ =	strace $0x9000004E  }
0xbe: {  	_ =	sfence  }
0xbf: {  	s30 =	sld [smem:$0x0];
	_ =	sdelay $0x2  }
0xc0: {  	s31 =	sshll.u32 s1, $0xD;
	s1 =	sshrl.u32 s1, $0x2  }
0xc1: {  	s3 =	sand.u32 $0x4000, s31;
	s1 =	sadd.s32 s1, s30  }
0xc2: {  	s0 =	sor.u32 s3, s0;
	s1 =	sshll.u32 s1, $0x11  }
0xc3: {  	s0 =	sor.u32 s1, s0  }
0xc4: {  	s0 =	sadd.s32 $0x8F2B, s0  }
0xc5: {  	[sflag:s0] =	ssyncadd.remote.s32 $0x1  }
0xc6: {  	_ =	sfence.sel $0xFFFF  }
0xc7: {  	[dreg:$0x0] =	wrdreg $0xFFFFFFFF;
	(pc) =	sbr.abs _section_cstart, $3  }
0xc8: {  	[dreg:$0x1] =	wrdreg $0xFFFFFFFF  }
0xc9: {  	_ =	task.clear_ibuf [dreg:s8], $0x2FFFF;
	_ =	strace $0x9FFFFFFF  }
0xca: {  	(tm) =	ssettm $0x7FFFFFFF  }
0xcb: {  	_ =	shalt  }
tec
execute0_lowered:
.L_overlay_start_1:
0x0: {  	(tag) =	ssettag $0x1  }
0x1: {  	s5 =	rddreg [dreg:$0x0]  }
0x2: {  	s6 =	rddreg [dreg:$0x1]  }
0x3: {  	s7 =	rddreg [dreg:$0x2]  }
0x4: {  	s1 =	rddreg [dreg:$0x3]  }
0x5: {  	s2 =	srdreg.scid;
	s0 =	rddreg [dreg:$0x4]  }
0x6: {  	s3 =	simm.s32 $0x0;
	s14 =	simm.s32 $0x5800;
	s15 =	simm.s32 $0x2  }
0x7: {  	s16 =	simm.s32 $0x2C00;
	s17 =	simm.s32 $0x80;
	s8 =	sand.u32 $0x1, s2  }
0x8: {  	s18 =	simm.s32 $0x1;
	s2 =	stileid.u32;
	s9 =	smul.u32 $0x140000, s8  }
0x9: {  	[smem:$0x7FF] =	sst s3;
	s4 =	sadd.s32 $0x52400, s5;
	s10 =	smul.u32 $0x14000, s2  }
0xa: {  	_ =	strace $0x8000004D;
	s11 =	sshll.u32 s8, $0x4;
	s30 =	smul.u32 $0x50000, s2  }
0xb: {  	s8 =	ssub.s32 $0x2, s8;
	s19 =	sshll.u32 s2, $0x6;
	s11 =	sor.u32 s2, s11  }
0xc: {  	s31 =	sshrl.u32 s8, $0x1;
	s19 =	sor.u32 $0x1C02, s19;
	s9 =	sadd.s32 s10, s9  }
0xd: {  	s11 =	smul.u32 $0x580, s11;
	s10 =	sshrl.u32 s30, $0x2;
	s9 =	sshrl.u32 s9, $0x3  }
0xe: {  	s12 =	ssub.s32 s8, s31;
	s9 =	sadd.s32 s9, s5;
	s5 =	sadd.s32 s10, s1  }
0xf: {  	s6 =	sadd.s32 s6, s11;
	s7 =	sadd.s32 s7, s11;
	s8 =	sadd.s32 $0x7A400, s9  }
0x10: {  	s9 =	smax.u32 s12, $0x1;
	s10 =	sadd.s32 $0x4000, s5;
	s11 =	sadd.s32 $0x8000, s5  }
0x11: {  	v0 =	vimm.f32 $0.0e+00;
	s12 =	sadd.s32 $0xC000, s5;
	s13 =	sadd.s32 $0x10000, s5;
	s20 =	sshrl.u32 s5, $0x3  }
.LBB2_1:
0x12: {  	s21 =	simm.s32 $0x0;
	s22 =	simm.s32 $0x200  }
.LBB2_2:
0x13: {  	p0 =	sne.s32 s22, $0xFE00;
	[tilespmem:s21+$0x5870] =	vst v0  }
0x14: {  	[tilespmem:s21+$0x5800] =	vst v0  }
0x15: {  	[tilespmem:s21+$0x5810] =	vst v0  }
.Ltmp0:
0x16: {  	[tilespmem:s21+$0x5820] =	vst v0;
	(pc) =	sbr.rel @p0 .LBB2_2-.Ltmp0, $4  }
0x17: {  	[tilespmem:s21+$0x5830] =	vst v0  }
0x18: {  	[tilespmem:s21+$0x5840] =	vst v0  }
0x19: {  	[tilespmem:s21+$0x5850] =	vst v0  }
0x1a: {  	[tilespmem:s21+$0x5860] =	vst v0;
	s21 =	sshra.s32 s22, $0x2;
	s22 =	sadd.s32 $0x200, s22  }
0x1b: {  	[tilespmem:s21+$0x5870] =	vst v0  }
0x1c: {  	[tilespmem:s21+$0x5800] =	vst v0  }
0x1d: {  	[tilespmem:s21+$0x5810] =	vst v0  }
0x1e: {  	[tilespmem:s21+$0x5820] =	vst v0  }
0x1f: {  	[tilespmem:s21+$0x5830] =	vst v0  }
0x20: {  	[tilespmem:s21+$0x5840] =	vst v0  }
0x21: {  	[tilespmem:s21+$0x5850] =	vst v0  }
0x22: {  	[tilespmem:s21+$0x5860] =	vst v0  }
0x23: {  	[spmem:s5] =	stream.linear.scatter [tilespmem:s14], [sflag:$0x2], $0x4000, $0x38;
	[tilespmem:$0x1D800] =	vst v63  }
0x24: {  	_ =	swait.ge [sflag:s15], $0x4000  }
0x25: {  	[sflag:s15] =	ssyncset.done $0x0  }
0x26: {  	[sflag:s15] =	ssyncadd.s32 $0xFFFFC000  }
0x27: {  	[spmem:s10] =	stream.linear.scatter [tilespmem:s14], [sflag:$0x2], $0x4000, $0x38;
	[tilespmem:$0x1D800] =	vst v63  }
0x28: {  	_ =	swait.ge [sflag:s15], $0x4000  }
0x29: {  	[sflag:s15] =	ssyncset.done $0x0  }
0x2a: {  	[sflag:s15] =	ssyncadd.s32 $0xFFFFC000  }
0x2b: {  	[spmem:s11] =	stream.linear.scatter [tilespmem:s14], [sflag:$0x2], $0x4000, $0x38;
	[tilespmem:$0x1D800] =	vst v63  }
0x2c: {  	_ =	swait.ge [sflag:s15], $0x4000  }
0x2d: {  	[sflag:s15] =	ssyncset.done $0x0  }
0x2e: {  	[sflag:s15] =	ssyncadd.s32 $0xFFFFC000  }
0x2f: {  	[spmem:s12] =	stream.linear.scatter [tilespmem:s14], [sflag:$0x2], $0x4000, $0x38;
	[tilespmem:$0x1D800] =	vst v63  }
0x30: {  	_ =	swait.ge [sflag:s15], $0x4000  }
0x31: {  	[sflag:s15] =	ssyncset.done $0x0  }
0x32: {  	[sflag:s15] =	ssyncadd.s32 $0xFFFFC000  }
0x33: {  	[spmem:s13] =	stream.linear.scatter [tilespmem:s14], [sflag:$0x2], $0x4000, $0x38;
	[tilespmem:$0x1D800] =	vst v63  }
0x34: {  	_ =	swait.ge [sflag:s15], $0x4000  }
0x35: {  	[sflag:s15] =	ssyncset.done $0x0  }
0x36: {  	s29 =	simm.s32 $0x0;
	[sflag:s15] =	ssyncadd.s32 $0xFFFFC000  }
0x37: {  	[tilespmem:s29], [sflag:$0x2] =	stream.linear.gather [hbm4b:s6+s29], $0x2880, $0x38;
	[tilespmem:$0x1D800] =	vst v63  }
0x38: {  	_ =	swait.ge [sflag:s15], $0x2880  }
0x39: {  	[sflag:s15] =	ssyncset.done $0x0  }
0x3a: {  	[sflag:s15] =	ssyncadd.s32 $0xFFFFD780  }
0x3b: {  	[tilespmem:s16], [sflag:$0x2] =	stream.linear.gather [hbm4b:s7+s29], $0x2880, $0x38;
	[tilespmem:$0x1D800] =	vst v63  }
0x3c: {  	_ =	swait.ge [sflag:s15], $0x2880  }
0x3d: {  	[sflag:s15] =	ssyncset.done $0x0  }
0x3e: {  	[sflag:s15] =	ssyncadd.s32 $0xFFFFD780  }
0x3f: {  	s30 =	simm.s32 $0x0;
	[bflag:$0x0] =	sbarrier.arrive $0xFFFF  }
0x40: {  	[tilespmem:s14], [sflag:$0x1] =	stream.indirect.gather [hbm4b:s4+s17], $0x80, s30, s17, $0xb8;
	[tilespmem:$0x1D800] =	vst v63  }
0x41: {  	_ =	swait.ge [sflag:s18], $0x4000  }
0x42: {  	[sflag:s18] =	ssyncset.done $0x0  }
0x43: {  	s31 =	simm.s32 $0x2C00;
	[sflag:s18] =	ssyncadd.s32 $0xFFFFC000  }
0x44: {  	[spmem:s1] =	stream.indirect.scatter.add.f32 [tilespmem:s14], [sflag:$0x2], $0x80, s31, s17, $0xb8;
	[tilespmem:$0x1D800] =	vst v63  }
0x45: {  	_ =	swait.ge [sflag:s15], $0x4000  }
0x46: {  	s21 =	simm.s32 $0x200;
	s22 =	simm.s32 $0x400;
	[sflag:s15] =	ssyncset.done $0x0  }
.LBB2_4:
0x47: {  	s23 =	sshra.s32 s21, $0x2  }
0x48: {  	[sflag:s15] =	ssyncadd.s32 $0xFFFFC000;
	s21 =	smov.u32 s22;
	s24 =	sadd.s32 $0x200, s22  }
0x49: {  	[tilespmem:s14], [sflag:$0x1] =	stream.indirect.gather [hbm4b:s4+s17], $0x80, s23, s17, $0xb8;
	[tilespmem:$0x1D800] =	vst v63  }
0x4a: {  	p0 =	sne.s32 s22, $0xA000;
	_ =	swait.ge [sflag:s18], $0x4000  }
.Ltmp1:
0x4b: {  	[sflag:s18] =	ssyncset.done $0x0;
	(pc) =	sbr.rel @p0 .LBB2_4-.Ltmp1, $4  }
0x4c: {  	s22 =	sadd.s32 $0x2C00, s23;
	[sflag:s18] =	ssyncadd.s32 $0xFFFFC000  }
0x4d: {  	[spmem:s1] =	stream.indirect.scatter.add.f32 [tilespmem:s14], [sflag:$0x2], $0x80, s22, s17, $0xb8;
	[tilespmem:$0x1D800] =	vst v63  }
0x4e: {  	_ =	swait.ge [sflag:s15], $0x4000  }
0x4f: {  	s22 =	smov.u32 s24;
	[sflag:s15] =	ssyncset.done $0x0  }
0x50: {  	s21 =	sshra.s32 s21, $0x2;
	[sflag:s15] =	ssyncadd.s32 $0xFFFFC000  }
0x51: {  	[tilespmem:s14], [sflag:$0x1] =	stream.indirect.gather [hbm4b:s4+s17], $0x80, s21, s17, $0xb8;
	[tilespmem:$0x1D800] =	vst v63  }
0x52: {  	_ =	swait.ge [sflag:s18], $0x4000  }
0x53: {  	[sflag:s18] =	ssyncset.done $0x0  }
0x54: {  	s21 =	sadd.s32 $0x2C00, s21;
	[sflag:s18] =	ssyncadd.s32 $0xFFFFC000  }
0x55: {  	[spmem:s1] =	stream.indirect.scatter.add.f32 [tilespmem:s14], [sflag:$0x2], $0x80, s21, s17, $0xb8;
	[tilespmem:$0x1D800] =	vst v63  }
0x56: {  	_ =	swait.ge [sflag:s15], $0x4000  }
0x57: {  	s3 =	sadd.s32 $0x1, s3;
	[sflag:s15] =	ssyncset.done $0x0  }
0x58: {  	p0 =	sne.s32 s3, s9;
	[sflag:s15] =	ssyncadd.s32 $0xFFFFC000  }
.Ltmp2:
0x59: {  	[bflag:$0x0] =	sbarrier.arrive $0xFFFF;
	(pc) =	sbr.rel @p0 .LBB2_1-.Ltmp2, $4  }
0x5a: {  	[hbm:s8], [sflag:s19] =	dma.local [spmem:s20], $0x2800  }
0x5b: {  	_ =	swait.ge [sflag:s15], $0x2800  }
0x5c: {  	[sflag:s15] =	ssyncset.done $0x0  }
0x5d: {  	[sflag:s15] =	ssyncadd.s32 $0xFFFFD800  }
0x5e: {  	_ =	sfence.sel $0x180000  }
0x5f: {  	[bflag:$0x0] =	sbarrier.arrive $0xFFFF  }
0x60: {  	p0 =	sne.s32 s2, $0x0;
	_ =	strace $0x9000004D  }
0x61: {  	s0 =	sadd.s32 @!p0 $0x100000, s0;
	[bflag:$0x2] =	sbarrier.arrive $0xFFFF  }
0x62: {  	[sflag:s0] =	ssyncadd.tile.s32 @!p0 $0x1;
	_ =	shalt  }
.Lfunc_end2:
_tile_overlayer_lowered:
.L_overlay_start_2:
0x63: {  	(tag) =	ssettag $0x2  }
0x64: {  	s0 =	rddreg [dreg:$0x0];
	s2 =	stileid.u32  }
0x65: {  	s1 =	rddreg [dreg:$0x1];
	p0 =	sne.s32 s2, $0x0  }
0x66: {  	s3 =	rddreg [dreg:$0x2];
	[bflag:$0x3] =	sbarrier.arrive $0xFFFF;
	s2 =	simm.s32 @!p0 $0x1C02  }
0x67: {  	[timem:s3], [sflag:s2] =	dma.local @!p0 [hbm:s0], s1  }
0x68: {  	s0 =	simm.s32 @!p0 $0x2  }
0x69: {  	_ =	swait.ge @!p0 [sflag:s0], s1  }
0x6a: {  	s1 =	ssub.s32 @!p0 $0x0, s1;
	[sflag:s0] =	ssyncset.done @!p0 $0x0  }
0x6b: {  	[sflag:s0] =	ssyncadd.s32 @!p0 s1  }
0x6c: {  	[bflag:$0x3] =	sbarrier.arrive $0xFFFF  }
0x6d: {  	_ =	shalt  }

// kernel: kernel.8.cloned.1.call-start
scs
__scs_entry_jumppad:
0x0: {  	(pc) =	sbr.rel $0x88, $3  }
0x1: {  	(tag) =	ssettag $0x0;
	lr =	simm.s32 $0x1  }
0x2: {  	[smem:$0x3F99] =	sst lr;
	_ =	strace $0xD0000000  }
0x3: {  	_ = 	snop  }
0x4: {  	_ = 	snop  }
0x5: {  	_ = 	snop  }
0x6: {  	_ = 	snop  }
0x7: {  	_ = 	snop  }
__scs_overlays_trampoline_lowered:
0x8: {  	[smem:$0x3FA8] =	sst s0  }
0x9: {  	[smem:$0x3FA9] =	sst s1  }
0xa: {  	[smem:$0x3FAA] =	sst s2  }
0xb: {  	[smem:$0x3FAB] =	sst s3  }
0xc: {  	[smem:$0x3FAC] =	sst s4  }
0xd: {  	[smem:$0x3FAD] =	sst s5  }
0xe: {  	[smem:$0x3FAE] =	sst s6  }
0xf: {  	[smem:$0x3FAF] =	sst s7  }
0x10: {  	[smem:$0x3FB0] =	sst s8  }
0x11: {  	[smem:$0x3FB1] =	sst s9;
	s0 =	simm.s32 @!p0 $0x0  }
0x12: {  	s1 =	sld [smem:$0x3F97];
	s0 =	simm.s32 @p0 $0x1  }
0x13: {  	[smem:$0x3FB2] =	sst s0;
	s0 =	simm.s32 @!p1 $0x0  }
0x14: {  	s2 =	sld [smem:$0x3F96];
	s0 =	simm.s32 @p1 $0x1  }
0x15: {  	[smem:$0x3FB3] =	sst s0;
	s0 =	simm.s32 @!p2 $0x0  }
0x16: {  	s3 =	sld [smem:$0x3FDB];
	s0 =	simm.s32 @p2 $0x1  }
0x17: {  	s4 =	simm.s32 $0x1BF5;
	[smem:$0x3FB5] =	sst s0  }
0x18: {  	s0 =	sld [smem:$0x3F98];
	_ =	swait.ge [sflag:s4], $0x0  }
0x19: {  	s7 =	sld [smem:$0x3F99]  }
0x1a: {  	s8 =	sadd.s32 $0xFFFFE003, lr  }
0x1b: {  	s9 =	sadd.s32 $0xFFFFFEF7, lr;
	s5 =	simm.s32 $0xFFFFFFFF;
	p2 =	slt.u32 s8, $0xFFFFF086  }
0x1c: {  	p1 =	slt.u32 s9, $0xF7A;
	s5 =	simm.s32 @!p2 $0x0  }
0x1d: {  	s5 =	simm.s32 @p1 $0x1;
	p0 =	seq.s32 s7, s2  }
0x1e: {  	s7 =	smul.u32 @!p0 $0xF7A, s2;
	p2 =	seq.s32 @!p0 s5, $0x0  }
0x1f: {  	s9 =	smul.u32 $0xF7A, s1;
	s8 =	simm.s32 @!p0 $0x1BF5;
	p2 =	por !p2, p0  }
0x20: {  	[sflag:s8] =	ssyncset.s32 @!p0 $0xFFFFF086;
	s6 =	sadd.s32 @!p0 s3, s7;
	s7 =	simm.s32 @!p0 $0x108  }
0x21: {  	s3 =	sadd.s32 s3, s9;
	s6 =	sadd.s32 @!p0 $0x88, s6;
	s7 =	simm.s32 @p2 $0x1082  }
0x22: {  	[simem:s7], [sflag:s8] =	dma.local @!p0 [hbm:s6], $0xF7A  }
0x23: {  	s9 =	sor.u32 $0xD0000000, s2;
	s6 =	simm.s32 $0x108;
	_ =	swait.ge @!p0 [sflag:s8], $0x0  }
0x24: {  	s3 =	sadd.s32 $0x88, s3;
	s6 =	simm.s32 @!p1 $0x1082;
	[sflag:s4] =	ssyncset.s32 $0xFFFFF086  }
0x25: {  	[simem:s6], [sflag:s4] =	dma.local [hbm:s3], $0xF7A  }
0x26: {  	[smem:$0x3F99] =	sst s1;
	(tag) =	ssettag s2;
	_ =	strace s9  }
0x27: {  	s1 =	sld [smem:$0x3FA9]  }
0x28: {  	s2 =	sld [smem:$0x3FAA]  }
0x29: {  	s4 =	sld [smem:$0x3FAC]  }
0x2a: {  	p0 =	seq.s32 s5, $0x0;
	s5 =	sld [smem:$0x3FAD]  }
0x2b: {  	s6 =	sld [smem:$0x3FAE]  }
0x2c: {  	s7 =	sld [smem:$0x3FAF]  }
0x2d: {  	s3 =	simm.s32 $0x108;
	s8 =	sld [smem:$0x3FB0]  }
0x2e: {  	s3 =	simm.s32 @!p0 $0x1082;
	s9 =	sld [smem:$0x3FB1]  }
0x2f: {  	lr =	sadd.s32 s0, s3;
	s0 =	sld [smem:$0x3FA8]  }
0x30: {  	s3 =	sld [smem:$0x3FAB]  }
0x31: {  	[smem:$0x3FB4] =	sst s10  }
0x32: {  	s10 =	sld [smem:$0x3FB2];
	_ =	sdelay $0x3  }
0x33: {  	p0 =	seq.s32 s10, $0x1;
	s10 =	sld [smem:$0x3FB4];
	_ =	sdelay $0x3  }
0x34: {  	[smem:$0x3FB4] =	sst s10  }
0x35: {  	s10 =	sld [smem:$0x3FB3];
	_ =	sdelay $0x3  }
0x36: {  	p1 =	seq.s32 s10, $0x1;
	s10 =	sld [smem:$0x3FB4];
	_ =	sdelay $0x3  }
0x37: {  	[smem:$0x3FB4] =	sst s10  }
0x38: {  	s10 =	sld [smem:$0x3FB5]  }
0x39: {  	_ = 	snop;
	(pc) =	sbr.ind lr, $3  }
0x3a: {  	_ = 	snop  }
0x3b: {  	_ = 	snop  }
0x3c: {  	p2 =	seq.s32 s10, $0x1;
	s10 =	sld [smem:$0x3FB4]  }
0x3d: {  	_ =	shalt  }
0x3e: {  	_ =	shalt  }
0x3f: {  	_ =	shalt  }
0x40: {  	_ =	shalt  }
0x41: {  	_ =	shalt  }
0x42: {  	_ =	shalt  }
0x43: {  	_ =	shalt  }
0x44: {  	_ =	shalt  }
0x45: {  	_ =	shalt  }
0x46: {  	_ =	shalt  }
0x47: {  	_ =	shalt  }
0x48: {  	_ =	shalt  }
0x49: {  	_ =	shalt  }
0x4a: {  	_ =	shalt  }
0x4b: {  	_ =	shalt  }
0x4c: {  	_ =	shalt  }
0x4d: {  	_ =	shalt  }
0x4e: {  	_ =	shalt  }
0x4f: {  	_ =	shalt  }
0x50: {  	_ =	shalt  }
0x51: {  	_ =	shalt  }
0x52: {  	_ =	shalt  }
0x53: {  	_ =	shalt  }
0x54: {  	_ =	shalt  }
0x55: {  	_ =	shalt  }
0x56: {  	_ =	shalt  }
0x57: {  	_ =	shalt  }
0x58: {  	_ =	shalt  }
0x59: {  	_ =	shalt  }
0x5a: {  	_ =	shalt  }
0x5b: {  	_ =	shalt  }
0x5c: {  	_ =	shalt  }
0x5d: {  	_ =	shalt  }
0x5e: {  	_ =	shalt  }
0x5f: {  	_ =	shalt  }
0x60: {  	_ =	shalt  }
0x61: {  	_ =	shalt  }
0x62: {  	_ =	shalt  }
0x63: {  	_ =	shalt  }
0x64: {  	_ =	shalt  }
0x65: {  	_ =	shalt  }
0x66: {  	_ =	shalt  }
0x67: {  	_ =	shalt  }
0x68: {  	_ =	shalt  }
0x69: {  	_ =	shalt  }
0x6a: {  	_ =	shalt  }
0x6b: {  	_ =	shalt  }
0x6c: {  	_ =	shalt  }
0x6d: {  	_ =	shalt  }
0x6e: {  	_ =	shalt  }
0x6f: {  	_ =	shalt  }
0x70: {  	_ =	shalt  }
0x71: {  	_ =	shalt  }
0x72: {  	_ =	shalt  }
0x73: {  	_ =	shalt  }
0x74: {  	_ =	shalt  }
0x75: {  	_ =	shalt  }
0x76: {  	_ =	shalt  }
0x77: {  	_ =	shalt  }
0x78: {  	_ =	shalt  }
0x79: {  	_ =	shalt  }
0x7a: {  	_ =	shalt  }
0x7b: {  	_ =	shalt  }
0x7c: {  	_ =	shalt  }
0x7d: {  	_ =	shalt  }
0x7e: {  	_ =	shalt  }
0x7f: {  	_ =	shalt  }
0x80: {  	_ =	shalt  }
0x81: {  	_ =	shalt  }
0x82: {  	_ =	shalt  }
0x83: {  	_ =	shalt  }
0x84: {  	_ =	shalt  }
0x85: {  	_ =	shalt  }
0x86: {  	_ =	shalt  }
0x87: {  	_ =	shalt  }
.Lfunc_end0:
.L_simem_size_0:
called_computation_lowered:
.L_overlay_start_0:
0x88: {  	s2 =	sld [smem:$0x3FD9]  }
0x89: {  	s3 =	sld [smem:$0x3FFE];
	_ =	sdelay $0x1  }
0x8a: {  	s1 =	srdreg.scid  }
0x8b: {  	s0 =	sand.u32 $0x1, s1  }
0x8c: {  	s14 =	sshll.u32 s0, $0xA;
	s2 =	sadd.s32 s3, s2  }
0x8d: {  	s2 =	sadd.s32 s2, s14  }
0x8e: {  	[smem:$0x3FC0] =	sst s2  }
0x8f: {  	_ = 	snop  }
0x90: {  	s2 =	sld [smem:$0x3FD0];
	_ =	sdelay $0x2  }
0x91: {  	s15 =	simm.s32 $0xA;
	s4 =	simm.s32 $0x10  }
0x92: {  	[smem:s4], [sflag:s15] =	dma.local [hbm:s2], $0x1  }
0x93: {  	_ =	swait.eq [sflag:s15], $0x1  }
0x94: {  	[sflag:s15] =	ssyncset.done $0x0  }
0x95: {  	[sflag:s15] =	ssyncadd.s32 $0xFFFFFFFF  }
0x96: {  	s16 =	sld [smem:$0x11];
	(tm) =	ssettm $0x1  }
0x97: {  	s17 =	sld [smem:$0x3FFB];
	_ =	sdelay $0x3  }
0x98: {  	_ =	strace s17  }
0x99: {  	s3 =	sld [smem:$0x3FFC];
	_ =	sdelay $0x3  }
0x9a: {  	_ =	strace s3  }
0x9b: {  	s3 =	sld [smem:$0x3FFD];
	_ =	sdelay $0x3  }
0x9c: {  	_ =	strace s3  }
0x9d: {  	_ =	strace $0x8FFFFFFF  }
0x9e: {  	s18 =	sld [smem:$0x3FDB];
	_ =	sdelay $0x1  }
0x9f: {  	s19 =	simm.s32 $_scs_section_size  }
0xa0: {  	s5 =	simm.s32 $_size__tile_overlayer_lowered;
	s6 =	simm.s32 $_tile_overlayer_lowered  }
0xa1: {  	s22 =	simm.s32 $0x1BFF;
	s21 =	sshll.u32 s6, $0x1;
	s3 =	sadd.s32 s19, s18  }
0xa2: {  	s7 =	simm.s32 $0x0;
	s20 =	sshll.u32 s5, $0x1;
	s5 =	sadd.s32 s21, s3  }
0xa3: {  	[timem:s7], [sflag:s22] =	dma.local [hbm:s5], s20  }
0xa4: {  	_ =	swait.ge [sflag:s22], s20  }
0xa5: {  	s4 =	ssub.s32 $0x0, s20;
	[sflag:s22] =	ssyncset.done $0x0  }
0xa6: {  	[sflag:s22] =	ssyncadd.s32 s4;
	_ =	sdelay $0x1  }
0xa7: {  	s23 =	simm.s32 $0x1B8B  }
0xa8: {  	_ =	swait.ge [sflag:s23], $0x1  }
0xa9: {  	[sflag:s23] =	ssyncset.done $0x0  }
0xaa: {  	s25 =	simm.s32 $0x1B8E;
	s24 =	sld [smem:$0x3FFE];
	[sflag:s23] =	ssyncadd.s32 $0xFFFFFFFF  }
0xab: {  	s26 =	simm.s32 $execute0_lowered;
	[smem:$0x3FD2] =	sst s25  }
0xac: {  	s5 =	sshll.u32 s26, $0x1;
	_ =	strace $0x80000046;
	[dreg:$0x1] =	wrdreg $0xFFFFFFFF  }
0xad: {  	s28 =	simm.s32 $_size_execute0_lowered;
	s3 =	sadd.s32 s3, s5;
	[dreg:$0x0] =	wrdreg $0x0  }
0xae: {  	s5 =	sshll.u32 s28, $0x1;
	[dreg:$0x2] =	wrdreg s3  }
0xaf: {  	[dreg:$0x3] =	wrdreg s5  }
0xb0: {  	[dreg:$0x4] =	wrdreg $0xC0  }
0xb1: {  	_ =	task [dreg:s7], $0x5FFFF  }
0xb2: {  	[dreg:$0x1] =	wrdreg $0xFFFFFFFF  }
0xb3: {  	[dreg:$0x0] =	wrdreg $0x60  }
0xb4: {  	[dreg:$0x2] =	wrdreg s16  }
0xb5: {  	[dreg:$0x3] =	wrdreg s24  }
0xb6: {  	[dreg:$0x4] =	wrdreg $0x6C000  }
0xb7: {  	[dreg:$0x5] =	wrdreg $0x9  }
0xb8: {  	_ =	task.clear_ibuf [dreg:s7], $0x6FFFF;
	_ =	strace $0x90000046  }
0xb9: {  	s29 =	simm.s32 $0x9;
	_ =	strace $0x80000048  }
0xba: {  	_ =	swait.ge [sflag:s29], $0x1  }
0xbb: {  	[sflag:s29] =	ssyncadd.s32 $0xFFFFFFFF  }
0xbc: {  	_ =	strace $0x90000048  }
0xbd: {  	_ =	sfence  }
0xbe: {  	s30 =	sld [smem:$0x0];
	_ =	sdelay $0x2  }
0xbf: {  	s31 =	sshll.u32 s1, $0xD;
	s1 =	sshrl.u32 s1, $0x2  }
0xc0: {  	s3 =	sand.u32 $0x4000, s31;
	s1 =	sadd.s32 s1, s30  }
0xc1: {  	s0 =	sor.u32 s3, s0;
	s1 =	sshll.u32 s1, $0x11  }
0xc2: {  	s0 =	sor.u32 s1, s0  }
0xc3: {  	s0 =	sadd.s32 $0x8F2B, s0  }
0xc4: {  	[sflag:s0] =	ssyncadd.remote.s32 $0x1  }
0xc5: {  	_ =	sfence.sel $0xFFFF  }
0xc6: {  	[dreg:$0x0] =	wrdreg $0xFFFFFFFF;
	(pc) =	sbr.abs _section_cstart, $3  }
0xc7: {  	[dreg:$0x1] =	wrdreg $0xFFFFFFFF  }
0xc8: {  	_ =	task.clear_ibuf [dreg:s7], $0x2FFFF;
	_ =	strace $0x9FFFFFFF  }
0xc9: {  	(tm) =	ssettm $0x7FFFFFFF  }
tec
execute0_lowered:
.L_overlay_start_1:
0x0: {  	(tag) =	ssettag $0x1  }
0x1: {  	s5 =	rddreg [dreg:$0x0]  }
0x2: {  	s4 =	rddreg [dreg:$0x1]  }
0x3: {  	s1 =	rddreg [dreg:$0x2];
	s2 =	srdreg.scid  }
0x4: {  	s0 =	rddreg [dreg:$0x3];
	s3 =	simm.s32 $0x0;
	s12 =	simm.s32 $0x2C00  }
0x5: {  	s13 =	simm.s32 $0x1;
	s6 =	sand.u32 $0x1, s2;
	s2 =	stileid.u32  }
0x6: {  	s14 =	simm.s32 $0x80;
	[smem:$0x7FF] =	sst s3;
	s7 =	smul.u32 $0x140000, s6  }
0x7: {  	s8 =	smul.u32 $0x14000, s2;
	_ =	strace $0x80000047;
	s9 =	sshll.u32 s6, $0x4  }
0x8: {  	s30 =	smul.u32 $0x50000, s2;
	s6 =	ssub.s32 $0x2, s6;
	s15 =	sshll.u32 s2, $0x6  }
0x9: {  	s9 =	sor.u32 s2, s9;
	s31 =	sshrl.u32 s6, $0x1;
	s7 =	sadd.s32 s8, s7  }
0xa: {  	s15 =	sor.u32 $0x1C01, s15;
	s9 =	smul.u32 $0x580, s9;
	s7 =	sshrl.u32 s7, $0x3  }
0xb: {  	s8 =	sshrl.u32 s30, $0x2;
	s10 =	ssub.s32 s6, s31;
	s7 =	sadd.s32 s7, s4  }
0xc: {  	s4 =	sadd.s32 s8, s1;
	s5 =	sadd.s32 s5, s9;
	s6 =	sadd.s32 $0x2400, s7  }
0xd: {  	s7 =	smax.u32 s10, $0x1;
	s8 =	sadd.s32 $0x4000, s4;
	s9 =	sadd.s32 $0x8000, s4  }
0xe: {  	v0 =	vimm.f32 $0.0e+00;
	v1 =	vimm.f32 $1.000000000e+00;
	s10 =	sadd.s32 $0xC000, s4;
	s11 =	sadd.s32 $0x10000, s4;
	s16 =	sshrl.u32 s4, $0x3  }
.LBB2_1:
0xf: {  	s17 =	simm.s32 $0x0;
	s18 =	simm.s32 $0x200  }
.LBB2_2:
0x10: {  	p0 =	sne.s32 s18, $0xFE00;
	[tilespmem:s17+$0x2C70] =	vst v0  }
0x11: {  	[tilespmem:s17+$0x2C00] =	vst v0  }
0x12: {  	[tilespmem:s17+$0x2C10] =	vst v0  }
.Ltmp0:
0x13: {  	[tilespmem:s17+$0x2C20] =	vst v0;
	(pc) =	sbr.rel @p0 .LBB2_2-.Ltmp0, $4  }
0x14: {  	[tilespmem:s17+$0x2C30] =	vst v0  }
0x15: {  	[tilespmem:s17+$0x2C40] =	vst v0  }
0x16: {  	[tilespmem:s17+$0x2C50] =	vst v0  }
0x17: {  	[tilespmem:s17+$0x2C60] =	vst v0;
	s17 =	sshra.s32 s18, $0x2;
	s18 =	sadd.s32 $0x200, s18  }
0x18: {  	[tilespmem:s17+$0x2C70] =	vst v0  }
0x19: {  	[tilespmem:s17+$0x2C00] =	vst v0  }
0x1a: {  	[tilespmem:s17+$0x2C10] =	vst v0  }
0x1b: {  	[tilespmem:s17+$0x2C20] =	vst v0  }
0x1c: {  	[tilespmem:s17+$0x2C30] =	vst v0  }
0x1d: {  	[tilespmem:s17+$0x2C40] =	vst v0  }
0x1e: {  	[tilespmem:s17+$0x2C50] =	vst v0  }
0x1f: {  	[tilespmem:s17+$0x2C60] =	vst v0  }
0x20: {  	[spmem:s4] =	stream.linear.scatter [tilespmem:s12], [sflag:$0x1], $0x4000, $0x38;
	[tilespmem:$0x1AC00] =	vst v63  }
0x21: {  	_ =	swait.ge [sflag:s13], $0x4000  }
0x22: {  	[sflag:s13] =	ssyncset.done $0x0  }
0x23: {  	[sflag:s13] =	ssyncadd.s32 $0xFFFFC000  }
0x24: {  	[spmem:s8] =	stream.linear.scatter [tilespmem:s12], [sflag:$0x1], $0x4000, $0x38;
	[tilespmem:$0x1AC00] =	vst v63  }
0x25: {  	_ =	swait.ge [sflag:s13], $0x4000  }
0x26: {  	[sflag:s13] =	ssyncset.done $0x0  }
0x27: {  	[sflag:s13] =	ssyncadd.s32 $0xFFFFC000  }
0x28: {  	[spmem:s9] =	stream.linear.scatter [tilespmem:s12], [sflag:$0x1], $0x4000, $0x38;
	[tilespmem:$0x1AC00] =	vst v63  }
0x29: {  	_ =	swait.ge [sflag:s13], $0x4000  }
0x2a: {  	[sflag:s13] =	ssyncset.done $0x0  }
0x2b: {  	[sflag:s13] =	ssyncadd.s32 $0xFFFFC000  }
0x2c: {  	[spmem:s10] =	stream.linear.scatter [tilespmem:s12], [sflag:$0x1], $0x4000, $0x38;
	[tilespmem:$0x1AC00] =	vst v63  }
0x2d: {  	_ =	swait.ge [sflag:s13], $0x4000  }
0x2e: {  	[sflag:s13] =	ssyncset.done $0x0  }
0x2f: {  	[sflag:s13] =	ssyncadd.s32 $0xFFFFC000  }
0x30: {  	[spmem:s11] =	stream.linear.scatter [tilespmem:s12], [sflag:$0x1], $0x4000, $0x38;
	[tilespmem:$0x1AC00] =	vst v63  }
0x31: {  	_ =	swait.ge [sflag:s13], $0x4000  }
0x32: {  	[sflag:s13] =	ssyncset.done $0x0  }
0x33: {  	s17 =	simm.s32 $0x0;
	s18 =	simm.s32 $0x200;
	[sflag:s13] =	ssyncadd.s32 $0xFFFFC000  }
.LBB2_4:
0x34: {  	p0 =	sne.s32 s18, $0xFE00;
	[tilespmem:s17+$0x2C70] =	vst v1  }
0x35: {  	[tilespmem:s17+$0x2C00] =	vst v1  }
0x36: {  	[tilespmem:s17+$0x2C10] =	vst v1  }
.Ltmp1:
0x37: {  	[tilespmem:s17+$0x2C20] =	vst v1;
	(pc) =	sbr.rel @p0 .LBB2_4-.Ltmp1, $4  }
0x38: {  	[tilespmem:s17+$0x2C30] =	vst v1  }
0x39: {  	[tilespmem:s17+$0x2C40] =	vst v1  }
0x3a: {  	[tilespmem:s17+$0x2C50] =	vst v1  }
0x3b: {  	[tilespmem:s17+$0x2C60] =	vst v1;
	s17 =	sshra.s32 s18, $0x2;
	s18 =	sadd.s32 $0x200, s18  }
0x3c: {  	[tilespmem:s17+$0x2C70] =	vst v1  }
0x3d: {  	[tilespmem:s17+$0x2C00] =	vst v1  }
0x3e: {  	[tilespmem:s17+$0x2C10] =	vst v1  }
0x3f: {  	[tilespmem:s17+$0x2C20] =	vst v1  }
0x40: {  	[tilespmem:s17+$0x2C30] =	vst v1  }
0x41: {  	[tilespmem:s17+$0x2C40] =	vst v1  }
0x42: {  	[tilespmem:s17+$0x2C50] =	vst v1  }
0x43: {  	[tilespmem:s17+$0x2C60] =	vst v1;
	s30 =	simm.s32 $0x0  }
0x44: {  	[tilespmem:s30], [sflag:$0x1] =	stream.linear.gather [hbm4b:s5+s30], $0x2880, $0x38;
	[tilespmem:$0x1AC00] =	vst v63  }
0x45: {  	_ =	swait.ge [sflag:s13], $0x2880  }
0x46: {  	[sflag:s13] =	ssyncset.done $0x0  }
0x47: {  	[sflag:s13] =	ssyncadd.s32 $0xFFFFD780  }
0x48: {  	s31 =	simm.s32 $0x0;
	[bflag:$0x0] =	sbarrier.arrive $0xFFFF  }
0x49: {  	[spmem:s1] =	stream.indirect.scatter.add.f32 [tilespmem:s12], [sflag:$0x1], $0x80, s31, s14, $0xb8;
	[tilespmem:$0x1AC00] =	vst v63  }
0x4a: {  	_ =	swait.ge [sflag:s13], $0x4000  }
0x4b: {  	s17 =	simm.s32 $0x200;
	[sflag:s13] =	ssyncset.done $0x0  }
.LBB2_6:
0x4c: {  	s18 =	sshra.s32 s17, $0x2;
	[sflag:s13] =	ssyncadd.s32 $0xFFFFC000;
	p0 =	sne.s32 s17, $0xA000  }
0x4d: {  	[spmem:s1] =	stream.indirect.scatter.add.f32 [tilespmem:s12], [sflag:$0x1], $0x80, s18, s14, $0xb8;
	[tilespmem:$0x1AC00] =	vst v63  }
.Ltmp2:
0x4e: {  	_ = 	snop;
	(pc) =	sbr.rel @p0 .LBB2_6-.Ltmp2, $4  }
0x4f: {  	_ = 	snop  }
0x50: {  	s17 =	sadd.s32 $0x200, s17  }
0x51: {  	_ =	swait.ge [sflag:s13], $0x4000  }
0x52: {  	[sflag:s13] =	ssyncset.done $0x0  }
0x53: {  	s3 =	sadd.s32 $0x1, s3  }
0x54: {  	[sflag:s13] =	ssyncadd.s32 $0xFFFFC000;
	p0 =	sne.s32 s3, s7  }
.Ltmp3:
0x55: {  	[bflag:$0x0] =	sbarrier.arrive $0xFFFF;
	(pc) =	sbr.rel @p0 .LBB2_1-.Ltmp3, $4  }
0x56: {  	[hbm:s6], [sflag:s15] =	dma.local [spmem:s16], $0x2800  }
0x57: {  	_ =	swait.ge [sflag:s13], $0x2800  }
0x58: {  	[sflag:s13] =	ssyncset.done $0x0  }
0x59: {  	[sflag:s13] =	ssyncadd.s32 $0xFFFFD800  }
0x5a: {  	_ =	sfence.sel $0x180000  }
0x5b: {  	[bflag:$0x0] =	sbarrier.arrive $0xFFFF  }
0x5c: {  	p0 =	sne.s32 s2, $0x0;
	_ =	strace $0x90000047  }
0x5d: {  	s0 =	sadd.s32 @!p0 $0x100000, s0;
	[bflag:$0x2] =	sbarrier.arrive $0xFFFF  }
0x5e: {  	[sflag:s0] =	ssyncadd.tile.s32 @!p0 $0x1;
	_ =	shalt  }
.Lfunc_end2:
_tile_overlayer_lowered:
.L_overlay_start_2:
0x5f: {  	(tag) =	ssettag $0x2  }
0x60: {  	s0 =	rddreg [dreg:$0x0];
	s2 =	stileid.u32  }
0x61: {  	s1 =	rddreg [dreg:$0x1];
	p0 =	sne.s32 s2, $0x0  }
0x62: {  	s3 =	rddreg [dreg:$0x2];
	[bflag:$0x3] =	sbarrier.arrive $0xFFFF;
	s2 =	simm.s32 @!p0 $0x1C01  }
0x63: {  	[timem:s3], [sflag:s2] =	dma.local @!p0 [hbm:s0], s1  }
0x64: {  	s0 =	simm.s32 @!p0 $0x1  }
0x65: {  	_ =	swait.ge @!p0 [sflag:s0], s1  }
0x66: {  	s1 =	ssub.s32 @!p0 $0x0, s1;
	[sflag:s0] =	ssyncset.done @!p0 $0x0  }
0x67: {  	[sflag:s0] =	ssyncadd.s32 @!p0 s1  }
0x68: {  	[bflag:$0x3] =	sbarrier.arrive $0xFFFF  }
0x69: {  	_ =	shalt  }

</sc_bundles>
